<compile_context>
chip_gen: v7x
topology: tpu7x:2x2x1
jax: 0.10.2.dev20260603
libtpu: 0.0.44.dev20260713+nightly
codegen_flags: <defaults>
</compile_context>

<pallas_src>
import functools

import jax
import jax.numpy as jnp
from jax import lax
from jax.experimental import pallas as pl
from jax.experimental.pallas import tpu as pltpu
from jax.experimental.pallas import tpu_sc as plsc

_SPD_MAX = 4
_IDX_CHUNK = 128


def _deg_gather_sc(table, idx_flat, b, n):
    bn = idx_flat.shape[0]
    v, h = table.shape
    info = plsc.get_sparse_core_info()
    nl = info.num_lanes
    nw = info.num_cores * info.num_subcores
    per = bn // nw
    nch = per // _IDX_CHUNK
    mesh = plsc.VectorSubcoreMesh(core_axis_name="c", subcore_axis_name="s")

    @functools.partial(
        pl.kernel,
        mesh=mesh,
        compiler_params=pltpu.CompilerParams(use_tc_tiling_on_sc=False),
        out_type=jax.ShapeDtypeStruct((bn, h), jnp.float32),
        scratch_types=[
            pltpu.VMEM((per,), jnp.int32),
            pltpu.VMEM((per, h), jnp.float32),
            pltpu.SemaphoreType.DMA,
        ],
    )
    def k(table_hbm, idx_hbm, out_hbm, idx_v, rows_v, sem):
        wid = lax.axis_index("s") * info.num_cores + lax.axis_index("c")
        base = wid * per
        pltpu.sync_copy(idx_hbm.at[pl.ds(base, per)], idx_v)
        copies = [
            pltpu.async_copy(
                table_hbm.at[idx_v.at[pl.ds(j * _IDX_CHUNK, _IDX_CHUNK)]],
                rows_v.at[pl.ds(j * _IDX_CHUNK, _IDX_CHUNK)],
                sem,
            )
            for j in range(nch)
        ]
        for cp in copies:
            cp.wait()
        pltpu.sync_copy(rows_v, out_hbm.at[pl.ds(base, per)])

    return k(table, idx_flat)


def _bias_body(emb_ref, spd_ref, deg_ref, degf_ref, out_ref):
    s = jnp.minimum(spd_ref[0], _SPD_MAX)
    masks = [s == kk for kk in range(1, _SPD_MAX + 1)]
    deg = deg_ref[0]
    degt = jnp.transpose(degf_ref[0], (1, 0))
    n_heads = degt.shape[0]
    for hh in range(n_heads):
        x = jnp.where(masks[0], emb_ref[1, hh], emb_ref[0, hh])
        for kk in range(2, _SPD_MAX + 1):
            x = jnp.where(masks[kk - 1], emb_ref[kk, hh], x)
        out_ref[0, hh] = x + (deg[:, hh : hh + 1] + degt[hh : hh + 1, :])


def _materialize_bias(spd_dense, spd_emb, deg, *, interpret=False):
    b, n, _ = spd_dense.shape
    h = spd_emb.shape[1]
    ti = 256
    grid = (b, n // ti)
    return pl.pallas_call(
        _bias_body,
        grid=grid,
        in_specs=[
            pl.BlockSpec(memory_space=pltpu.SMEM),
            pl.BlockSpec((1, ti, n), lambda bb, ii: (bb, ii, 0)),
            pl.BlockSpec((1, ti, h), lambda bb, ii: (bb, ii, 0)),
            pl.BlockSpec((1, n, h), lambda bb, ii: (bb, 0, 0)),
        ],
        out_specs=pl.BlockSpec((1, h, ti, n), lambda bb, ii: (bb, 0, ii, 0)),
        out_shape=jax.ShapeDtypeStruct((b, h, n, n), jnp.float32),
        compiler_params=pltpu.CompilerParams(
            dimension_semantics=("parallel", "parallel"),
        ),
        interpret=interpret,
    )(spd_emb, spd_dense, deg, deg)


def kernel(spd_dense, degree_dense, spd_emb, degree_emb):
    b, n, _ = spd_dense.shape
    h = spd_emb.shape[1]
    idx = degree_dense.astype(jnp.int32).reshape(b * n)
    deg = _deg_gather_sc(degree_emb, idx, b, n).reshape(b, n, h)
    return _materialize_bias(spd_dense.astype(jnp.int32), spd_emb, deg)

# --- scband reference (transcript-rebuilt; emitter-appended) ---
"""Pipeline reference for scband-graphormer-bias-76613626626555 (READ-ONLY COPY).

The authoritative reference and input builder live on the scoring server;
editing this copy changes nothing except your own understanding.
"""

import jax, jax.numpy as jnp
import numpy as np

NUM_HEADS = 16
SPD_MAX_DIST = 4
DEG_VOCAB = 512
B, N = 16, 512


def setup_inputs(seed: int = 0) -> dict:
    key = jax.random.key(seed)
    k1, k2, k3, k4 = jax.random.split(key, 4)
    spd_dense = jax.random.randint(k1, (B, N, N), 0, 5, dtype=jnp.int64 if jax.config.jax_enable_x64 else jnp.int32)
    degree_dense = jax.random.randint(k2, (B, N), 0, DEG_VOCAB, dtype=jnp.int64 if jax.config.jax_enable_x64 else jnp.int32)
    spd_emb = jax.random.normal(k3, (SPD_MAX_DIST + 1, NUM_HEADS), dtype=jnp.float32)
    degree_emb = jax.random.normal(k4, (DEG_VOCAB, NUM_HEADS), dtype=jnp.float32)
    return {"spd_dense": spd_dense, "degree_dense": degree_dense, "spd_emb": spd_emb, "degree_emb": degree_emb}


def reference(spd_dense, degree_dense, spd_emb, degree_emb):
    # spd bucket: clamp(max=spd_max_dist)
    spd_bucket = jnp.minimum(spd_dense.astype(jnp.int32), SPD_MAX_DIST)
    # embedding lookup -> [B, N, N, H]
    spd_bias = jnp.take(spd_emb, spd_bucket, axis=0)
    bias = spd_bias
    # degree centrality encoding -> [B, N, H]
    deg = jnp.take(degree_emb, degree_dense.astype(jnp.int32), axis=0)
    deg_i = deg[:, :, None, :]  # [B, N, 1, H]
    deg_j = deg[:, None, :, :]  # [B, 1, N, H]
    bias = bias + (deg_i + deg_j)
    # [B, H, N, N]
    return jnp.transpose(bias, (0, 3, 1, 2))

if __name__ == "__main__":
    import jax
    _d = setup_inputs()
    print(jax.jit(kernel)(*tuple(_d.values())))

</pallas_src>

<mosaic_0001>
#map = affine_map<(d0, d1) -> (0, 0)>
#map1 = affine_map<(d0, d1) -> (0)>
module attributes {stable_mosaic.version = 14 : i64} {
  func.func @k(%arg0: i32, %arg1: i32, %arg2: memref<512x16xf32, #tpu.memory_space<hbm>>, %arg3: memref<8192xi32, #tpu.memory_space<hbm>>, %arg4: memref<8192x16xf32, #tpu.memory_space<hbm>>, %arg5: memref<256xi32, #tpu.memory_space<vmem>>, %arg6: memref<256x16xf32, #tpu.memory_space<vmem>>, %arg7: memref<!tpu.dma_semaphore, #tpu.memory_space<semaphore_mem>>) attributes {dimension_semantics = [#tpu.dimension_semantics<core_parallel>, #tpu.dimension_semantics<subcore_parallel>], iteration_bounds = array<i64: 2, 16>, scalar_prefetch = 0 : i64, scratch_operands = 3 : i64, tpu.core_type = #tpu.core_type<sc_vector_subcore>, window_params = [{transform_indices = #map}, {transform_indices = #map1}, {transform_indices = #map}]} {
    %mul3A = arith.constant 2 : i32
    %mul3A_0 = arith.muli %arg1, %mul3A : i32
    %add3A = arith.addi %mul3A_0, %arg0 : i32
    %mul3A_1 = arith.constant 256 : i32
    %mul3A_2 = arith.muli %add3A, %mul3A_1 : i32
    "tpu.region"() ({
      %run_scoped3A = tpu.sem_alloc : memref<!tpu.dma_semaphore, #tpu.memory_space<semaphore_mem>>
      %dma_start3A_33 = tpu.memref_slice %arg3[%mul3A_2] : memref<8192xi32, #tpu.memory_space<hbm>> -> memref<256xi32, #tpu.memory_space<hbm>>
      %dma_start3A_34 = tpu.memref_slice %arg3[%mul3A_2] : memref<8192xi32, #tpu.memory_space<hbm>> -> memref<256xi32, #tpu.memory_space<hbm>>
      tpu.enqueue_dma source(%dma_start3A_34 : memref<256xi32, #tpu.memory_space<hbm>>) target(%arg5 : memref<256xi32, #tpu.memory_space<vmem>>) target_semaphore(%run_scoped3A : memref<!tpu.dma_semaphore, #tpu.memory_space<semaphore_mem>>)
      %dma_wait3A_35 = tpu.memref_slice %arg3[%mul3A_2] : memref<8192xi32, #tpu.memory_space<hbm>> -> memref<256xi32, #tpu.memory_space<hbm>>
      %dma_wait3A_36 = tpu.memref_slice %arg3[%mul3A_2] : memref<8192xi32, #tpu.memory_space<hbm>> -> memref<256xi32, #tpu.memory_space<hbm>>
      tpu.wait_dma2 semaphore(%run_scoped3A : memref<!tpu.dma_semaphore, #tpu.memory_space<semaphore_mem>>) src(%dma_wait3A_36 : memref<256xi32, #tpu.memory_space<hbm>>) dst(%arg5 : memref<256xi32, #tpu.memory_space<vmem>>)
      tpu.yield
    }) : () -> ()
    %dma_start3A = arith.constant 0 : i32
    %dma_start3A_3 = arith.constant 0 : i32
    %dma_start3A_4 = tpu.memref_slice %arg6[%dma_start3A, %dma_start3A_3] : memref<256x16xf32, #tpu.memory_space<vmem>> -> memref<128x16xf32, #tpu.memory_space<vmem>>
    %dma_start3A_5 = arith.constant 0 : i32
    %dma_start3A_6 = tpu.memref_slice %arg5[%dma_start3A_5] : memref<256xi32, #tpu.memory_space<vmem>> -> memref<128xi32, #tpu.memory_space<vmem>>
    %dma_start3A_7 = arith.constant 0 : i32
    %dma_start3A_8 = arith.constant 0 : i32
    %dma_start3A_9 = tpu.memref_slice %arg2[%dma_start3A_7, %dma_start3A_8] : memref<512x16xf32, #tpu.memory_space<hbm>> -> memref<512x16xf32, #tpu.memory_space<hbm>>
    tpu.enqueue_indirect_dma source(%dma_start3A_9 : memref<512x16xf32, #tpu.memory_space<hbm>>) target(%dma_start3A_4 : memref<128x16xf32, #tpu.memory_space<vmem>>) offsets(%dma_start3A_6 : memref<128xi32, #tpu.memory_space<vmem>>) semaphore(%arg7 : memref<!tpu.dma_semaphore, #tpu.memory_space<semaphore_mem>>)
    %dma_start3A_10 = arith.constant 128 : i32
    %dma_start3A_11 = arith.constant 0 : i32
    %dma_start3A_12 = tpu.memref_slice %arg6[%dma_start3A_10, %dma_start3A_11] : memref<256x16xf32, #tpu.memory_space<vmem>> -> memref<128x16xf32, #tpu.memory_space<vmem>>
    %dma_start3A_13 = arith.constant 128 : i32
    %dma_start3A_14 = tpu.memref_slice %arg5[%dma_start3A_13] : memref<256xi32, #tpu.memory_space<vmem>> -> memref<128xi32, #tpu.memory_space<vmem>>
    %dma_start3A_15 = arith.constant 0 : i32
    %dma_start3A_16 = arith.constant 0 : i32
    %dma_start3A_17 = tpu.memref_slice %arg2[%dma_start3A_15, %dma_start3A_16] : memref<512x16xf32, #tpu.memory_space<hbm>> -> memref<512x16xf32, #tpu.memory_space<hbm>>
    tpu.enqueue_indirect_dma source(%dma_start3A_17 : memref<512x16xf32, #tpu.memory_space<hbm>>) target(%dma_start3A_12 : memref<128x16xf32, #tpu.memory_space<vmem>>) offsets(%dma_start3A_14 : memref<128xi32, #tpu.memory_space<vmem>>) semaphore(%arg7 : memref<!tpu.dma_semaphore, #tpu.memory_space<semaphore_mem>>)
    %dma_wait3A = arith.constant 0 : i32
    %dma_wait3A_18 = arith.constant 0 : i32
    %dma_wait3A_19 = tpu.memref_slice %arg6[%dma_wait3A, %dma_wait3A_18] : memref<256x16xf32, #tpu.memory_space<vmem>> -> memref<128x16xf32, #tpu.memory_space<vmem>>
    %dma_wait3A_20 = arith.constant 0 : i32
    %dma_wait3A_21 = tpu.memref_slice %arg5[%dma_wait3A_20] : memref<256xi32, #tpu.memory_space<vmem>> -> memref<128xi32, #tpu.memory_space<vmem>>
    %dma_wait3A_22 = arith.constant 0 : i32
    %dma_wait3A_23 = arith.constant 0 : i32
    %dma_wait3A_24 = tpu.memref_slice %arg2[%dma_wait3A_22, %dma_wait3A_23] : memref<512x16xf32, #tpu.memory_space<hbm>> -> memref<512x16xf32, #tpu.memory_space<hbm>>
    tpu.wait_indirect_dma semaphore(%arg7 : memref<!tpu.dma_semaphore, #tpu.memory_space<semaphore_mem>>) src(%dma_wait3A_24 : memref<512x16xf32, #tpu.memory_space<hbm>>) dst(%dma_wait3A_19 : memref<128x16xf32, #tpu.memory_space<vmem>>)
    %dma_wait3A_25 = arith.constant 128 : i32
    %dma_wait3A_26 = arith.constant 0 : i32
    %dma_wait3A_27 = tpu.memref_slice %arg6[%dma_wait3A_25, %dma_wait3A_26] : memref<256x16xf32, #tpu.memory_space<vmem>> -> memref<128x16xf32, #tpu.memory_space<vmem>>
    %dma_wait3A_28 = arith.constant 128 : i32
    %dma_wait3A_29 = tpu.memref_slice %arg5[%dma_wait3A_28] : memref<256xi32, #tpu.memory_space<vmem>> -> memref<128xi32, #tpu.memory_space<vmem>>
    %dma_wait3A_30 = arith.constant 0 : i32
    %dma_wait3A_31 = arith.constant 0 : i32
    %dma_wait3A_32 = tpu.memref_slice %arg2[%dma_wait3A_30, %dma_wait3A_31] : memref<512x16xf32, #tpu.memory_space<hbm>> -> memref<512x16xf32, #tpu.memory_space<hbm>>
    tpu.wait_indirect_dma semaphore(%arg7 : memref<!tpu.dma_semaphore, #tpu.memory_space<semaphore_mem>>) src(%dma_wait3A_32 : memref<512x16xf32, #tpu.memory_space<hbm>>) dst(%dma_wait3A_27 : memref<128x16xf32, #tpu.memory_space<vmem>>)
    "tpu.region"() ({
      %run_scoped3A = tpu.sem_alloc : memref<!tpu.dma_semaphore, #tpu.memory_space<semaphore_mem>>
      %dma_start3A_33 = arith.constant 0 : i32
      %dma_start3A_34 = tpu.memref_slice %arg4[%mul3A_2, %dma_start3A_33] : memref<8192x16xf32, #tpu.memory_space<hbm>> -> memref<256x16xf32, #tpu.memory_space<hbm>>
      %dma_start3A_35 = arith.constant 0 : i32
      %dma_start3A_36 = tpu.memref_slice %arg4[%mul3A_2, %dma_start3A_35] : memref<8192x16xf32, #tpu.memory_space<hbm>> -> memref<256x16xf32, #tpu.memory_space<hbm>>
      tpu.enqueue_dma source(%arg6 : memref<256x16xf32, #tpu.memory_space<vmem>>) target(%dma_start3A_36 : memref<256x16xf32, #tpu.memory_space<hbm>>) target_semaphore(%run_scoped3A : memref<!tpu.dma_semaphore, #tpu.memory_space<semaphore_mem>>)
      %dma_wait3A_37 = arith.constant 0 : i32
      %dma_wait3A_38 = tpu.memref_slice %arg4[%mul3A_2, %dma_wait3A_37] : memref<8192x16xf32, #tpu.memory_space<hbm>> -> memref<256x16xf32, #tpu.memory_space<hbm>>
      %dma_wait3A_39 = arith.constant 0 : i32
      %dma_wait3A_40 = tpu.memref_slice %arg4[%mul3A_2, %dma_wait3A_39] : memref<8192x16xf32, #tpu.memory_space<hbm>> -> memref<256x16xf32, #tpu.memory_space<hbm>>
      tpu.wait_dma2 semaphore(%run_scoped3A : memref<!tpu.dma_semaphore, #tpu.memory_space<semaphore_mem>>) src(%arg6 : memref<256x16xf32, #tpu.memory_space<vmem>>) dst(%dma_wait3A_40 : memref<256x16xf32, #tpu.memory_space<hbm>>)
      tpu.yield
    }) : () -> ()
    return
  }
}

module attributes {stable_mosaic.version = 14 : i64} {
  func.func @_bias_body(%arg0: i32, %arg1: i32, %arg2: memref<5x16xf32, #tpu.memory_space<smem>>, %arg3: memref<1x256x512xi32, #tpu.memory_space<vmem>>, %arg4: memref<1x256x16xf32, #tpu.memory_space<vmem>>, %arg5: memref<1x512x16xf32, #tpu.memory_space<vmem>>, %arg6: memref<1x16x256x512xf32, #tpu.memory_space<vmem>>) attributes {dimension_semantics = [#tpu.dimension_semantics<parallel>, #tpu.dimension_semantics<parallel>], iteration_bounds = array<i64: 16, 2>, scalar_prefetch = 0 : i64, scratch_operands = 0 : i64, tpu.core_type = #tpu.core_type<tc>, window_params = [{transform_indices = @transform_0, window_bounds = array<i64: 5, 16>}, {transform_indices = @transform_1, window_bounds = array<i64: 1, 256, 512>}, {transform_indices = @transform_2, window_bounds = array<i64: 1, 256, 16>}, {transform_indices = @transform_3, window_bounds = array<i64: 1, 512, 16>}, {transform_indices = @transform_4, window_bounds = array<i64: 1, 16, 256, 512>}]} {
    %get3A = arith.constant 0 : index
    %get3A_0 = arith.constant 0 : index
    %get3A_1 = arith.constant 0 : index
    %get3A_2 = vector.load %arg3[%get3A, %get3A_0, %get3A_1] : memref<1x256x512xi32, #tpu.memory_space<vmem>>, vector<1x256x512xi32>
    %get3A_3 = vector.shape_cast %get3A_2 : vector<1x256x512xi32> to vector<256x512xi32>
    %min3A = arith.constant 4 : i32
    %min3A_4 = vector.broadcast %min3A : i32 to vector<256x512xi32>
    %min3A_5 = arith.minsi %get3A_3, %min3A_4 : vector<256x512xi32>
    %eq3A = arith.constant 1 : i32
    %eq3A_6 = vector.broadcast %eq3A : i32 to vector<256x512xi32>
    %eq3A_7 = arith.cmpi eq, %min3A_5, %eq3A_6 : vector<256x512xi32>
    %eq3A_8 = arith.constant 2 : i32
    %eq3A_9 = vector.broadcast %eq3A_8 : i32 to vector<256x512xi32>
    %eq3A_10 = arith.cmpi eq, %min3A_5, %eq3A_9 : vector<256x512xi32>
    %eq3A_11 = arith.constant 3 : i32
    %eq3A_12 = vector.broadcast %eq3A_11 : i32 to vector<256x512xi32>
    %eq3A_13 = arith.cmpi eq, %min3A_5, %eq3A_12 : vector<256x512xi32>
    %eq3A_14 = arith.constant 4 : i32
    %eq3A_15 = vector.broadcast %eq3A_14 : i32 to vector<256x512xi32>
    %eq3A_16 = arith.cmpi eq, %min3A_5, %eq3A_15 : vector<256x512xi32>
    %get3A_17 = arith.constant 0 : index
    %get3A_18 = arith.constant 0 : index
    %get3A_19 = arith.constant 0 : index
    %get3A_20 = vector.load %arg4[%get3A_17, %get3A_18, %get3A_19] : memref<1x256x16xf32, #tpu.memory_space<vmem>>, vector<1x256x16xf32>
    %get3A_21 = vector.shape_cast %get3A_20 : vector<1x256x16xf32> to vector<256x16xf32>
    %get3A_22 = arith.constant 0 : index
    %get3A_23 = arith.constant 0 : index
    %get3A_24 = arith.constant 0 : index
    %get3A_25 = vector.load %arg5[%get3A_22, %get3A_23, %get3A_24] : memref<1x512x16xf32, #tpu.memory_space<vmem>>, vector<1x512x16xf32>
    %get3A_26 = vector.shape_cast %get3A_25 : vector<1x512x16xf32> to vector<512x16xf32>
    %transpose3A = tpu.transpose %get3A_26, [1, 0] : vector<512x16xf32> -> vector<16x512xf32>
    %get3A_27 = arith.constant 1 : index
    %get3A_28 = arith.constant 0 : index
    %get3A_29 = memref.load %arg2[%get3A_27, %get3A_28] : memref<5x16xf32, #tpu.memory_space<smem>>
    %get3A_30 = arith.constant 0 : index
    %get3A_31 = arith.constant 0 : index
    %get3A_32 = memref.load %arg2[%get3A_30, %get3A_31] : memref<5x16xf32, #tpu.memory_space<smem>>
    %broadcast_in_dim3A = vector.broadcast %get3A_29 : f32 to vector<256x512xf32>
    %broadcast_in_dim3A_33 = vector.broadcast %get3A_32 : f32 to vector<256x512xf32>
    %select_n3A = arith.select %eq3A_7, %broadcast_in_dim3A, %broadcast_in_dim3A_33 : vector<256x512xi1>, vector<256x512xf32>
    %get3A_34 = arith.constant 2 : index
    %get3A_35 = arith.constant 0 : index
    %get3A_36 = memref.load %arg2[%get3A_34, %get3A_35] : memref<5x16xf32, #tpu.memory_space<smem>>
    %broadcast_in_dim3A_37 = vector.broadcast %get3A_36 : f32 to vector<256x512xf32>
    %select_n3A_38 = arith.select %eq3A_10, %broadcast_in_dim3A_37, %select_n3A : vector<256x512xi1>, vector<256x512xf32>
    %get3A_39 = arith.constant 3 : index
    %get3A_40 = arith.constant 0 : index
    %get3A_41 = memref.load %arg2[%get3A_39, %get3A_40] : memref<5x16xf32, #tpu.memory_space<smem>>
    %broadcast_in_dim3A_42 = vector.broadcast %get3A_41 : f32 to vector<256x512xf32>
    %select_n3A_43 = arith.select %eq3A_13, %broadcast_in_dim3A_42, %select_n3A_38 : vector<256x512xi1>, vector<256x512xf32>
    %get3A_44 = arith.constant 4 : index
    %get3A_45 = arith.constant 0 : index
    %get3A_46 = memref.load %arg2[%get3A_44, %get3A_45] : memref<5x16xf32, #tpu.memory_space<smem>>
    %broadcast_in_dim3A_47 = vector.broadcast %get3A_46 : f32 to vector<256x512xf32>
    %select_n3A_48 = arith.select %eq3A_16, %broadcast_in_dim3A_47, %select_n3A_43 : vector<256x512xi1>, vector<256x512xf32>
    %slice3A = vector.extract_strided_slice %get3A_21 {offsets = [0, 0], sizes = [256, 1], strides = [1, 1]} : vector<256x16xf32> to vector<256x1xf32>
    %slice3A_49 = vector.extract_strided_slice %transpose3A {offsets = [0, 0], sizes = [1, 512], strides = [1, 1]} : vector<16x512xf32> to vector<1x512xf32>
    %add3A = vector.broadcast %slice3A : vector<256x1xf32> to vector<256x512xf32>
    %add3A_50 = vector.broadcast %slice3A_49 : vector<1x512xf32> to vector<256x512xf32>
    %add3A_51 = arith.addf %add3A, %add3A_50 : vector<256x512xf32>
    %add3A_52 = arith.addf %select_n3A_48, %add3A_51 : vector<256x512xf32>
    %swap3A = arith.constant 0 : index
    %swap3A_53 = arith.constant 0 : index
    %swap3A_54 = arith.constant 0 : index
    %swap3A_55 = arith.constant 0 : index
    %swap3A_56 = vector.load %arg6[%swap3A, %swap3A_53, %swap3A_54, %swap3A_55] : memref<1x16x256x512xf32, #tpu.memory_space<vmem>>, vector<1x1x256x512xf32>
    %swap3A_57 = vector.shape_cast %swap3A_56 : vector<1x1x256x512xf32> to vector<256x512xf32>
    %swap3A_58 = vector.shape_cast %add3A_52 : vector<256x512xf32> to vector<1x1x256x512xf32>
    tpu.vector_store %arg6[%swap3A, %swap3A_53, %swap3A_54, %swap3A_55], %swap3A_58 {strides = array<i32>} : memref<1x16x256x512xf32, #tpu.memory_space<vmem>>, vector<1x1x256x512xf32>,
    %get3A_59 = arith.constant 1 : index
    %get3A_60 = arith.constant 1 : index
    %get3A_61 = memref.load %arg2[%get3A_59, %get3A_60] : memref<5x16xf32, #tpu.memory_space<smem>>
    %get3A_62 = arith.constant 0 : index
    %get3A_63 = arith.constant 1 : index
    %get3A_64 = memref.load %arg2[%get3A_62, %get3A_63] : memref<5x16xf32, #tpu.memory_space<smem>>
    %broadcast_in_dim3A_65 = vector.broadcast %get3A_61 : f32 to vector<256x512xf32>
    %broadcast_in_dim3A_66 = vector.broadcast %get3A_64 : f32 to vector<256x512xf32>
    %select_n3A_67 = arith.select %eq3A_7, %broadcast_in_dim3A_65, %broadcast_in_dim3A_66 : vector<256x512xi1>, vector<256x512xf32>
    %get3A_68 = arith.constant 2 : index
    %get3A_69 = arith.constant 1 : index
    %get3A_70 = memref.load %arg2[%get3A_68, %get3A_69] : memref<5x16xf32, #tpu.memory_space<smem>>
    %broadcast_in_dim3A_71 = vector.broadcast %get3A_70 : f32 to vector<256x512xf32>
    %select_n3A_72 = arith.select %eq3A_10, %broadcast_in_dim3A_71, %select_n3A_67 : vector<256x512xi1>, vector<256x512xf32>
    %get3A_73 = arith.constant 3 : index
    %get3A_74 = arith.constant 1 : index
    %get3A_75 = memref.load %arg2[%get3A_73, %get3A_74] : memref<5x16xf32, #tpu.memory_space<smem>>
    %broadcast_in_dim3A_76 = vector.broadcast %get3A_75 : f32 to vector<256x512xf32>
    %select_n3A_77 = arith.select %eq3A_13, %broadcast_in_dim3A_76, %select_n3A_72 : vector<256x512xi1>, vector<256x512xf32>
    %get3A_78 = arith.constant 4 : index
    %get3A_79 = arith.constant 1 : index
    %get3A_80 = memref.load %arg2[%get3A_78, %get3A_79] : memref<5x16xf32, #tpu.memory_space<smem>>
    %broadcast_in_dim3A_81 = vector.broadcast %get3A_80 : f32 to vector<256x512xf32>
    %select_n3A_82 = arith.select %eq3A_16, %broadcast_in_dim3A_81, %select_n3A_77 : vector<256x512xi1>, vector<256x512xf32>
    %slice3A_83 = vector.extract_strided_slice %get3A_21 {offsets = [0, 1], sizes = [256, 1], strides = [1, 1]} : vector<256x16xf32> to vector<256x1xf32>
    %slice3A_84 = vector.extract_strided_slice %transpose3A {offsets = [1, 0], sizes = [1, 512], strides = [1, 1]} : vector<16x512xf32> to vector<1x512xf32>
    %add3A_85 = vector.broadcast %slice3A_83 : vector<256x1xf32> to vector<256x512xf32>
    %add3A_86 = vector.broadcast %slice3A_84 : vector<1x512xf32> to vector<256x512xf32>
    %add3A_87 = arith.addf %add3A_85, %add3A_86 : vector<256x512xf32>
    %add3A_88 = arith.addf %select_n3A_82, %add3A_87 : vector<256x512xf32>
    %swap3A_89 = arith.constant 0 : index
    %swap3A_90 = arith.constant 1 : index
    %swap3A_91 = arith.constant 0 : index
    %swap3A_92 = arith.constant 0 : index
    %swap3A_93 = vector.load %arg6[%swap3A_89, %swap3A_90, %swap3A_91, %swap3A_92] : memref<1x16x256x512xf32, #tpu.memory_space<vmem>>, vector<1x1x256x512xf32>
    %swap3A_94 = vector.shape_cast %swap3A_93 : vector<1x1x256x512xf32> to vector<256x512xf32>
    %swap3A_95 = vector.shape_cast %add3A_88 : vector<256x512xf32> to vector<1x1x256x512xf32>
    tpu.vector_store %arg6[%swap3A_89, %swap3A_90, %swap3A_91, %swap3A_92], %swap3A_95 {strides = array<i32>} : memref<1x16x256x512xf32, #tpu.memory_space<vmem>>, vector<1x1x256x512xf32>,
    %get3A_96 = arith.constant 1 : index
    %get3A_97 = arith.constant 2 : index
    %get3A_98 = memref.load %arg2[%get3A_96, %get3A_97] : memref<5x16xf32, #tpu.memory_space<smem>>
    %get3A_99 = arith.constant 0 : index
    %get3A_100 = arith.constant 2 : index
    %get3A_101 = memref.load %arg2[%get3A_99, %get3A_100] : memref<5x16xf32, #tpu.memory_space<smem>>
    %broadcast_in_dim3A_102 = vector.broadcast %get3A_98 : f32 to vector<256x512xf32>
    %broadcast_in_dim3A_103 = vector.broadcast %get3A_101 : f32 to vector<256x512xf32>
    %select_n3A_104 = arith.select %eq3A_7, %broadcast_in_dim3A_102, %broadcast_in_dim3A_103 : vector<256x512xi1>, vector<256x512xf32>
    %get3A_105 = arith.constant 2 : index
    %get3A_106 = arith.constant 2 : index
    %get3A_107 = memref.load %arg2[%get3A_105, %get3A_106] : memref<5x16xf32, #tpu.memory_space<smem>>
    %broadcast_in_dim3A_108 = vector.broadcast %get3A_107 : f32 to vector<256x512xf32>
    %select_n3A_109 = arith.select %eq3A_10, %broadcast_in_dim3A_108, %select_n3A_104 : vector<256x512xi1>, vector<256x512xf32>
    %get3A_110 = arith.constant 3 : index
    %get3A_111 = arith.constant 2 : index
    %get3A_112 = memref.load %arg2[%get3A_110, %get3A_111] : memref<5x16xf32, #tpu.memory_space<smem>>
    %broadcast_in_dim3A_113 = vector.broadcast %get3A_112 : f32 to vector<256x512xf32>
    %select_n3A_114 = arith.select %eq3A_13, %broadcast_in_dim3A_113, %select_n3A_109 : vector<256x512xi1>, vector<256x512xf32>
    %get3A_115 = arith.constant 4 : index
    %get3A_116 = arith.constant 2 : index
    %get3A_117 = memref.load %arg2[%get3A_115, %get3A_116] : memref<5x16xf32, #tpu.memory_space<smem>>
    %broadcast_in_dim3A_118 = vector.broadcast %get3A_117 : f32 to vector<256x512xf32>
    %select_n3A_119 = arith.select %eq3A_16, %broadcast_in_dim3A_118, %select_n3A_114 : vector<256x512xi1>, vector<256x512xf32>
    %slice3A_120 = vector.extract_strided_slice %get3A_21 {offsets = [0, 2], sizes = [256, 1], strides = [1, 1]} : vector<256x16xf32> to vector<256x1xf32>
    %slice3A_121 = vector.extract_strided_slice %transpose3A {offsets = [2, 0], sizes = [1, 512], strides = [1, 1]} : vector<16x512xf32> to vector<1x512xf32>
    %add3A_122 = vector.broadcast %slice3A_120 : vector<256x1xf32> to vector<256x512xf32>
    %add3A_123 = vector.broadcast %slice3A_121 : vector<1x512xf32> to vector<256x512xf32>
    %add3A_124 = arith.addf %add3A_122, %add3A_123 : vector<256x512xf32>
    %add3A_125 = arith.addf %select_n3A_119, %add3A_124 : vector<256x512xf32>
    %swap3A_126 = arith.constant 0 : index
    %swap3A_127 = arith.constant 2 : index
    %swap3A_128 = arith.constant 0 : index
    %swap3A_129 = arith.constant 0 : index
    %swap3A_130 = vector.load %arg6[%swap3A_126, %swap3A_127, %swap3A_128, %swap3A_129] : memref<1x16x256x512xf32, #tpu.memory_space<vmem>>, vector<1x1x256x512xf32>
    %swap3A_131 = vector.shape_cast %swap3A_130 : vector<1x1x256x512xf32> to vector<256x512xf32>
    %swap3A_132 = vector.shape_cast %add3A_125 : vector<256x512xf32> to vector<1x1x256x512xf32>
    tpu.vector_store %arg6[%swap3A_126, %swap3A_127, %swap3A_128, %swap3A_129], %swap3A_132 {strides = array<i32>} : memref<1x16x256x512xf32, #tpu.memory_space<vmem>>, vector<1x1x256x512xf32>,
    %get3A_133 = arith.constant 1 : index
    %get3A_134 = arith.constant 3 : index
    %get3A_135 = memref.load %arg2[%get3A_133, %get3A_134] : memref<5x16xf32, #tpu.memory_space<smem>>
    %get3A_136 = arith.constant 0 : index
    %get3A_137 = arith.constant 3 : index
    %get3A_138 = memref.load %arg2[%get3A_136, %get3A_137] : memref<5x16xf32, #tpu.memory_space<smem>>
    %broadcast_in_dim3A_139 = vector.broadcast %get3A_135 : f32 to vector<256x512xf32>
    %broadcast_in_dim3A_140 = vector.broadcast %get3A_138 : f32 to vector<256x512xf32>
    %select_n3A_141 = arith.select %eq3A_7, %broadcast_in_dim3A_139, %broadcast_in_dim3A_140 : vector<256x512xi1>, vector<256x512xf32>
    %get3A_142 = arith.constant 2 : index
    %get3A_143 = arith.constant 3 : index
    %get3A_144 = memref.load %arg2[%get3A_142, %get3A_143] : memref<5x16xf32, #tpu.memory_space<smem>>
    %broadcast_in_dim3A_145 = vector.broadcast %get3A_144 : f32 to vector<256x512xf32>
    %select_n3A_146 = arith.select %eq3A_10, %broadcast_in_dim3A_145, %select_n3A_141 : vector<256x512xi1>, vector<256x512xf32>
    %get3A_147 = arith.constant 3 : index
    %get3A_148 = arith.constant 3 : index
    %get3A_149 = memref.load %arg2[%get3A_147, %get3A_148] : memref<5x16xf32, #tpu.memory_space<smem>>
    %broadcast_in_dim3A_150 = vector.broadcast %get3A_149 : f32 to vector<256x512xf32>
    %select_n3A_151 = arith.select %eq3A_13, %broadcast_in_dim3A_150, %select_n3A_146 : vector<256x512xi1>, vector<256x512xf32>
    %get3A_152 = arith.constant 4 : index
    %get3A_153 = arith.constant 3 : index
    %get3A_154 = memref.load %arg2[%get3A_152, %get3A_153] : memref<5x16xf32, #tpu.memory_space<smem>>
    %broadcast_in_dim3A_155 = vector.broadcast %get3A_154 : f32 to vector<256x512xf32>
    %select_n3A_156 = arith.select %eq3A_16, %broadcast_in_dim3A_155, %select_n3A_151 : vector<256x512xi1>, vector<256x512xf32>
    %slice3A_157 = vector.extract_strided_slice %get3A_21 {offsets = [0, 3], sizes = [256, 1], strides = [1, 1]} : vector<256x16xf32> to vector<256x1xf32>
    %slice3A_158 = vector.extract_strided_slice %transpose3A {offsets = [3, 0], sizes = [1, 512], strides = [1, 1]} : vector<16x512xf32> to vector<1x512xf32>
    %add3A_159 = vector.broadcast %slice3A_157 : vector<256x1xf32> to vector<256x512xf32>
    %add3A_160 = vector.broadcast %slice3A_158 : vector<1x512xf32> to vector<256x512xf32>
    %add3A_161 = arith.addf %add3A_159, %add3A_160 : vector<256x512xf32>
    %add3A_162 = arith.addf %select_n3A_156, %add3A_161 : vector<256x512xf32>
    %swap3A_163 = arith.constant 0 : index
    %swap3A_164 = arith.constant 3 : index
    %swap3A_165 = arith.constant 0 : index
    %swap3A_166 = arith.constant 0 : index
    %swap3A_167 = vector.load %arg6[%swap3A_163, %swap3A_164, %swap3A_165, %swap3A_166] : memref<1x16x256x512xf32, #tpu.memory_space<vmem>>, vector<1x1x256x512xf32>
    %swap3A_168 = vector.shape_cast %swap3A_167 : vector<1x1x256x512xf32> to vector<256x512xf32>
    %swap3A_169 = vector.shape_cast %add3A_162 : vector<256x512xf32> to vector<1x1x256x512xf32>
    tpu.vector_store %arg6[%swap3A_163, %swap3A_164, %swap3A_165, %swap3A_166], %swap3A_169 {strides = array<i32>} : memref<1x16x256x512xf32, #tpu.memory_space<vmem>>, vector<1x1x256x512xf32>,
    %get3A_170 = arith.constant 1 : index
    %get3A_171 = arith.constant 4 : index
    %get3A_172 = memref.load %arg2[%get3A_170, %get3A_171] : memref<5x16xf32, #tpu.memory_space<smem>>
    %get3A_173 = arith.constant 0 : index
    %get3A_174 = arith.constant 4 : index
    %get3A_175 = memref.load %arg2[%get3A_173, %get3A_174] : memref<5x16xf32, #tpu.memory_space<smem>>
    %broadcast_in_dim3A_176 = vector.broadcast %get3A_172 : f32 to vector<256x512xf32>
    %broadcast_in_dim3A_177 = vector.broadcast %get3A_175 : f32 to vector<256x512xf32>
    %select_n3A_178 = arith.select %eq3A_7, %broadcast_in_dim3A_176, %broadcast_in_dim3A_177 : vector<256x512xi1>, vector<256x512xf32>
    %get3A_179 = arith.constant 2 : index
    %get3A_180 = arith.constant 4 : index
    %get3A_181 = memref.load %arg2[%get3A_179, %get3A_180] : memref<5x16xf32, #tpu.memory_space<smem>>
    %broadcast_in_dim3A_182 = vector.broadcast %get3A_181 : f32 to vector<256x512xf32>
    %select_n3A_183 = arith.select %eq3A_10, %broadcast_in_dim3A_182, %select_n3A_178 : vector<256x512xi1>, vector<256x512xf32>
    %get3A_184 = arith.constant 3 : index
    %get3A_185 = arith.constant 4 : index
    %get3A_186 = memref.load %arg2[%get3A_184, %get3A_185] : memref<5x16xf32, #tpu.memory_space<smem>>
    %broadcast_in_dim3A_187 = vector.broadcast %get3A_186 : f32 to vector<256x512xf32>
    %select_n3A_188 = arith.select %eq3A_13, %broadcast_in_dim3A_187, %select_n3A_183 : vector<256x512xi1>, vector<256x512xf32>
    %get3A_189 = arith.constant 4 : index
    %get3A_190 = arith.constant 4 : index
    %get3A_191 = memref.load %arg2[%get3A_189, %get3A_190] : memref<5x16xf32, #tpu.memory_space<smem>>
    %broadcast_in_dim3A_192 = vector.broadcast %get3A_191 : f32 to vector<256x512xf32>
    %select_n3A_193 = arith.select %eq3A_16, %broadcast_in_dim3A_192, %select_n3A_188 : vector<256x512xi1>, vector<256x512xf32>
    %slice3A_194 = vector.extract_strided_slice %get3A_21 {offsets = [0, 4], sizes = [256, 1], strides = [1, 1]} : vector<256x16xf32> to vector<256x1xf32>
    %slice3A_195 = vector.extract_strided_slice %transpose3A {offsets = [4, 0], sizes = [1, 512], strides = [1, 1]} : vector<16x512xf32> to vector<1x512xf32>
    %add3A_196 = vector.broadcast %slice3A_194 : vector<256x1xf32> to vector<256x512xf32>
    %add3A_197 = vector.broadcast %slice3A_195 : vector<1x512xf32> to vector<256x512xf32>
    %add3A_198 = arith.addf %add3A_196, %add3A_197 : vector<256x512xf32>
    %add3A_199 = arith.addf %select_n3A_193, %add3A_198 : vector<256x512xf32>
    %swap3A_200 = arith.constant 0 : index
    %swap3A_201 = arith.constant 4 : index
    %swap3A_202 = arith.constant 0 : index
    %swap3A_203 = arith.constant 0 : index
    %swap3A_204 = vector.load %arg6[%swap3A_200, %swap3A_201, %swap3A_202, %swap3A_203] : memref<1x16x256x512xf32, #tpu.memory_space<vmem>>, vector<1x1x256x512xf32>
    %swap3A_205 = vector.shape_cast %swap3A_204 : vector<1x1x256x512xf32> to vector<256x512xf32>
    %swap3A_206 = vector.shape_cast %add3A_199 : vector<256x512xf32> to vector<1x1x256x512xf32>
    tpu.vector_store %arg6[%swap3A_200, %swap3A_201, %swap3A_202, %swap3A_203], %swap3A_206 {strides = array<i32>} : memref<1x16x256x512xf32, #tpu.memory_space<vmem>>, vector<1x1x256x512xf32>,
    %get3A_207 = arith.constant 1 : index
    %get3A_208 = arith.constant 5 : index
    %get3A_209 = memref.load %arg2[%get3A_207, %get3A_208] : memref<5x16xf32, #tpu.memory_space<smem>>
    %get3A_210 = arith.constant 0 : index
    %get3A_211 = arith.constant 5 : index
    %get3A_212 = memref.load %arg2[%get3A_210, %get3A_211] : memref<5x16xf32, #tpu.memory_space<smem>>
    %broadcast_in_dim3A_213 = vector.broadcast %get3A_209 : f32 to vector<256x512xf32>
    %broadcast_in_dim3A_214 = vector.broadcast %get3A_212 : f32 to vector<256x512xf32>
    %select_n3A_215 = arith.select %eq3A_7, %broadcast_in_dim3A_213, %broadcast_in_dim3A_214 : vector<256x512xi1>, vector<256x512xf32>
    %get3A_216 = arith.constant 2 : index
    %get3A_217 = arith.constant 5 : index
    %get3A_218 = memref.load %arg2[%get3A_216, %get3A_217] : memref<5x16xf32, #tpu.memory_space<smem>>
    %broadcast_in_dim3A_219 = vector.broadcast %get3A_218 : f32 to vector<256x512xf32>
    %select_n3A_220 = arith.select %eq3A_10, %broadcast_in_dim3A_219, %select_n3A_215 : vector<256x512xi1>, vector<256x512xf32>
    %get3A_221 = arith.constant 3 : index
    %get3A_222 = arith.constant 5 : index
    %get3A_223 = memref.load %arg2[%get3A_221, %get3A_222] : memref<5x16xf32, #tpu.memory_space<smem>>
    %broadcast_in_dim3A_224 = vector.broadcast %get3A_223 : f32 to vector<256x512xf32>
    %select_n3A_225 = arith.select %eq3A_13, %broadcast_in_dim3A_224, %select_n3A_220 : vector<256x512xi1>, vector<256x512xf32>
    %get3A_226 = arith.constant 4 : index
    %get3A_227 = arith.constant 5 : index
    %get3A_228 = memref.load %arg2[%get3A_226, %get3A_227] : memref<5x16xf32, #tpu.memory_space<smem>>
    %broadcast_in_dim3A_229 = vector.broadcast %get3A_228 : f32 to vector<256x512xf32>
    %select_n3A_230 = arith.select %eq3A_16, %broadcast_in_dim3A_229, %select_n3A_225 : vector<256x512xi1>, vector<256x512xf32>
    %slice3A_231 = vector.extract_strided_slice %get3A_21 {offsets = [0, 5], sizes = [256, 1], strides = [1, 1]} : vector<256x16xf32> to vector<256x1xf32>
    %slice3A_232 = vector.extract_strided_slice %transpose3A {offsets = [5, 0], sizes = [1, 512], strides = [1, 1]} : vector<16x512xf32> to vector<1x512xf32>
    %add3A_233 = vector.broadcast %slice3A_231 : vector<256x1xf32> to vector<256x512xf32>
    %add3A_234 = vector.broadcast %slice3A_232 : vector<1x512xf32> to vector<256x512xf32>
    %add3A_235 = arith.addf %add3A_233, %add3A_234 : vector<256x512xf32>
    %add3A_236 = arith.addf %select_n3A_230, %add3A_235 : vector<256x512xf32>
    %swap3A_237 = arith.constant 0 : index
    %swap3A_238 = arith.constant 5 : index
    %swap3A_239 = arith.constant 0 : index
    %swap3A_240 = arith.constant 0 : index
    %swap3A_241 = vector.load %arg6[%swap3A_237, %swap3A_238, %swap3A_239, %swap3A_240] : memref<1x16x256x512xf32, #tpu.memory_space<vmem>>, vector<1x1x256x512xf32>
    %swap3A_242 = vector.shape_cast %swap3A_241 : vector<1x1x256x512xf32> to vector<256x512xf32>
    %swap3A_243 = vector.shape_cast %add3A_236 : vector<256x512xf32> to vector<1x1x256x512xf32>
    tpu.vector_store %arg6[%swap3A_237, %swap3A_238, %swap3A_239, %swap3A_240], %swap3A_243 {strides = array<i32>} : memref<1x16x256x512xf32, #tpu.memory_space<vmem>>, vector<1x1x256x512xf32>,
    %get3A_244 = arith.constant 1 : index
    %get3A_245 = arith.constant 6 : index
    %get3A_246 = memref.load %arg2[%get3A_244, %get3A_245] : memref<5x16xf32, #tpu.memory_space<smem>>
    %get3A_247 = arith.constant 0 : index
    %get3A_248 = arith.constant 6 : index
    %get3A_249 = memref.load %arg2[%get3A_247, %get3A_248] : memref<5x16xf32, #tpu.memory_space<smem>>
    %broadcast_in_dim3A_250 = vector.broadcast %get3A_246 : f32 to vector<256x512xf32>
    %broadcast_in_dim3A_251 = vector.broadcast %get3A_249 : f32 to vector<256x512xf32>
    %select_n3A_252 = arith.select %eq3A_7, %broadcast_in_dim3A_250, %broadcast_in_dim3A_251 : vector<256x512xi1>, vector<256x512xf32>
    %get3A_253 = arith.constant 2 : index
    %get3A_254 = arith.constant 6 : index
    %get3A_255 = memref.load %arg2[%get3A_253, %get3A_254] : memref<5x16xf32, #tpu.memory_space<smem>>
    %broadcast_in_dim3A_256 = vector.broadcast %get3A_255 : f32 to vector<256x512xf32>
    %select_n3A_257 = arith.select %eq3A_10, %broadcast_in_dim3A_256, %select_n3A_252 : vector<256x512xi1>, vector<256x512xf32>
    %get3A_258 = arith.constant 3 : index
    %get3A_259 = arith.constant 6 : index
    %get3A_260 = memref.load %arg2[%get3A_258, %get3A_259] : memref<5x16xf32, #tpu.memory_space<smem>>
    %broadcast_in_dim3A_261 = vector.broadcast %get3A_260 : f32 to vector<256x512xf32>
    %select_n3A_262 = arith.select %eq3A_13, %broadcast_in_dim3A_261, %select_n3A_257 : vector<256x512xi1>, vector<256x512xf32>
    %get3A_263 = arith.constant 4 : index
    %get3A_264 = arith.constant 6 : index
    %get3A_265 = memref.load %arg2[%get3A_263, %get3A_264] : memref<5x16xf32, #tpu.memory_space<smem>>
    %broadcast_in_dim3A_266 = vector.broadcast %get3A_265 : f32 to vector<256x512xf32>
    %select_n3A_267 = arith.select %eq3A_16, %broadcast_in_dim3A_266, %select_n3A_262 : vector<256x512xi1>, vector<256x512xf32>
    %slice3A_268 = vector.extract_strided_slice %get3A_21 {offsets = [0, 6], sizes = [256, 1], strides = [1, 1]} : vector<256x16xf32> to vector<256x1xf32>
    %slice3A_269 = vector.extract_strided_slice %transpose3A {offsets = [6, 0], sizes = [1, 512], strides = [1, 1]} : vector<16x512xf32> to vector<1x512xf32>
    %add3A_270 = vector.broadcast %slice3A_268 : vector<256x1xf32> to vector<256x512xf32>
    %add3A_271 = vector.broadcast %slice3A_269 : vector<1x512xf32> to vector<256x512xf32>
    %add3A_272 = arith.addf %add3A_270, %add3A_271 : vector<256x512xf32>
    %add3A_273 = arith.addf %select_n3A_267, %add3A_272 : vector<256x512xf32>
    %swap3A_274 = arith.constant 0 : index
    %swap3A_275 = arith.constant 6 : index
    %swap3A_276 = arith.constant 0 : index
    %swap3A_277 = arith.constant 0 : index
    %swap3A_278 = vector.load %arg6[%swap3A_274, %swap3A_275, %swap3A_276, %swap3A_277] : memref<1x16x256x512xf32, #tpu.memory_space<vmem>>, vector<1x1x256x512xf32>
    %swap3A_279 = vector.shape_cast %swap3A_278 : vector<1x1x256x512xf32> to vector<256x512xf32>
    %swap3A_280 = vector.shape_cast %add3A_273 : vector<256x512xf32> to vector<1x1x256x512xf32>
    tpu.vector_store %arg6[%swap3A_274, %swap3A_275, %swap3A_276, %swap3A_277], %swap3A_280 {strides = array<i32>} : memref<1x16x256x512xf32, #tpu.memory_space<vmem>>, vector<1x1x256x512xf32>,
    %get3A_281 = arith.constant 1 : index
    %get3A_282 = arith.constant 7 : index
    %get3A_283 = memref.load %arg2[%get3A_281, %get3A_282] : memref<5x16xf32, #tpu.memory_space<smem>>
    %get3A_284 = arith.constant 0 : index
    %get3A_285 = arith.constant 7 : index
    %get3A_286 = memref.load %arg2[%get3A_284, %get3A_285] : memref<5x16xf32, #tpu.memory_space<smem>>
    %broadcast_in_dim3A_287 = vector.broadcast %get3A_283 : f32 to vector<256x512xf32>
    %broadcast_in_dim3A_288 = vector.broadcast %get3A_286 : f32 to vector<256x512xf32>
    %select_n3A_289 = arith.select %eq3A_7, %broadcast_in_dim3A_287, %broadcast_in_dim3A_288 : vector<256x512xi1>, vector<256x512xf32>
    %get3A_290 = arith.constant 2 : index
    %get3A_291 = arith.constant 7 : index
    %get3A_292 = memref.load %arg2[%get3A_290, %get3A_291] : memref<5x16xf32, #tpu.memory_space<smem>>
    %broadcast_in_dim3A_293 = vector.broadcast %get3A_292 : f32 to vector<256x512xf32>
    %select_n3A_294 = arith.select %eq3A_10, %broadcast_in_dim3A_293, %select_n3A_289 : vector<256x512xi1>, vector<256x512xf32>
    %get3A_295 = arith.constant 3 : index
    %get3A_296 = arith.constant 7 : index
    %get3A_297 = memref.load %arg2[%get3A_295, %get3A_296] : memref<5x16xf32, #tpu.memory_space<smem>>
    %broadcast_in_dim3A_298 = vector.broadcast %get3A_297 : f32 to vector<256x512xf32>
    %select_n3A_299 = arith.select %eq3A_13, %broadcast_in_dim3A_298, %select_n3A_294 : vector<256x512xi1>, vector<256x512xf32>
    %get3A_300 = arith.constant 4 : index
    %get3A_301 = arith.constant 7 : index
    %get3A_302 = memref.load %arg2[%get3A_300, %get3A_301] : memref<5x16xf32, #tpu.memory_space<smem>>
    %broadcast_in_dim3A_303 = vector.broadcast %get3A_302 : f32 to vector<256x512xf32>
    %select_n3A_304 = arith.select %eq3A_16, %broadcast_in_dim3A_303, %select_n3A_299 : vector<256x512xi1>, vector<256x512xf32>
    %slice3A_305 = vector.extract_strided_slice %get3A_21 {offsets = [0, 7], sizes = [256, 1], strides = [1, 1]} : vector<256x16xf32> to vector<256x1xf32>
    %slice3A_306 = vector.extract_strided_slice %transpose3A {offsets = [7, 0], sizes = [1, 512], strides = [1, 1]} : vector<16x512xf32> to vector<1x512xf32>
    %add3A_307 = vector.broadcast %slice3A_305 : vector<256x1xf32> to vector<256x512xf32>
    %add3A_308 = vector.broadcast %slice3A_306 : vector<1x512xf32> to vector<256x512xf32>
    %add3A_309 = arith.addf %add3A_307, %add3A_308 : vector<256x512xf32>
    %add3A_310 = arith.addf %select_n3A_304, %add3A_309 : vector<256x512xf32>
    %swap3A_311 = arith.constant 0 : index
    %swap3A_312 = arith.constant 7 : index
    %swap3A_313 = arith.constant 0 : index
    %swap3A_314 = arith.constant 0 : index
    %swap3A_315 = vector.load %arg6[%swap3A_311, %swap3A_312, %swap3A_313, %swap3A_314] : memref<1x16x256x512xf32, #tpu.memory_space<vmem>>, vector<1x1x256x512xf32>
    %swap3A_316 = vector.shape_cast %swap3A_315 : vector<1x1x256x512xf32> to vector<256x512xf32>
    %swap3A_317 = vector.shape_cast %add3A_310 : vector<256x512xf32> to vector<1x1x256x512xf32>
    tpu.vector_store %arg6[%swap3A_311, %swap3A_312, %swap3A_313, %swap3A_314], %swap3A_317 {strides = array<i32>} : memref<1x16x256x512xf32, #tpu.memory_space<vmem>>, vector<1x1x256x512xf32>,
    %get3A_318 = arith.constant 1 : index
    %get3A_319 = arith.constant 8 : index
    %get3A_320 = memref.load %arg2[%get3A_318, %get3A_319] : memref<5x16xf32, #tpu.memory_space<smem>>
    %get3A_321 = arith.constant 0 : index
    %get3A_322 = arith.constant 8 : index
    %get3A_323 = memref.load %arg2[%get3A_321, %get3A_322] : memref<5x16xf32, #tpu.memory_space<smem>>
    %broadcast_in_dim3A_324 = vector.broadcast %get3A_320 : f32 to vector<256x512xf32>
    %broadcast_in_dim3A_325 = vector.broadcast %get3A_323 : f32 to vector<256x512xf32>
    %select_n3A_326 = arith.select %eq3A_7, %broadcast_in_dim3A_324, %broadcast_in_dim3A_325 : vector<256x512xi1>, vector<256x512xf32>
    %get3A_327 = arith.constant 2 : index
    %get3A_328 = arith.constant 8 : index
    %get3A_329 = memref.load %arg2[%get3A_327, %get3A_328] : memref<5x16xf32, #tpu.memory_space<smem>>
    %broadcast_in_dim3A_330 = vector.broadcast %get3A_329 : f32 to vector<256x512xf32>
    %select_n3A_331 = arith.select %eq3A_10, %broadcast_in_dim3A_330, %select_n3A_326 : vector<256x512xi1>, vector<256x512xf32>
    %get3A_332 = arith.constant 3 : index
    %get3A_333 = arith.constant 8 : index
    %get3A_334 = memref.load %arg2[%get3A_332, %get3A_333] : memref<5x16xf32, #tpu.memory_space<smem>>
    %broadcast_in_dim3A_335 = vector.broadcast %get3A_334 : f32 to vector<256x512xf32>
    %select_n3A_336 = arith.select %eq3A_13, %broadcast_in_dim3A_335, %select_n3A_331 : vector<256x512xi1>, vector<256x512xf32>
    %get3A_337 = arith.constant 4 : index
    %get3A_338 = arith.constant 8 : index
    %get3A_339 = memref.load %arg2[%get3A_337, %get3A_338] : memref<5x16xf32, #tpu.memory_space<smem>>
    %broadcast_in_dim3A_340 = vector.broadcast %get3A_339 : f32 to vector<256x512xf32>
    %select_n3A_341 = arith.select %eq3A_16, %broadcast_in_dim3A_340, %select_n3A_336 : vector<256x512xi1>, vector<256x512xf32>
    %slice3A_342 = vector.extract_strided_slice %get3A_21 {offsets = [0, 8], sizes = [256, 1], strides = [1, 1]} : vector<256x16xf32> to vector<256x1xf32>
    %slice3A_343 = vector.extract_strided_slice %transpose3A {offsets = [8, 0], sizes = [1, 512], strides = [1, 1]} : vector<16x512xf32> to vector<1x512xf32>
    %add3A_344 = vector.broadcast %slice3A_342 : vector<256x1xf32> to vector<256x512xf32>
    %add3A_345 = vector.broadcast %slice3A_343 : vector<1x512xf32> to vector<256x512xf32>
    %add3A_346 = arith.addf %add3A_344, %add3A_345 : vector<256x512xf32>
    %add3A_347 = arith.addf %select_n3A_341, %add3A_346 : vector<256x512xf32>
    %swap3A_348 = arith.constant 0 : index
    %swap3A_349 = arith.constant 8 : index
    %swap3A_350 = arith.constant 0 : index
    %swap3A_351 = arith.constant 0 : index
    %swap3A_352 = vector.load %arg6[%swap3A_348, %swap3A_349, %swap3A_350, %swap3A_351] : memref<1x16x256x512xf32, #tpu.memory_space<vmem>>, vector<1x1x256x512xf32>
    %swap3A_353 = vector.shape_cast %swap3A_352 : vector<1x1x256x512xf32> to vector<256x512xf32>
    %swap3A_354 = vector.shape_cast %add3A_347 : vector<256x512xf32> to vector<1x1x256x512xf32>
    tpu.vector_store %arg6[%swap3A_348, %swap3A_349, %swap3A_350, %swap3A_351], %swap3A_354 {strides = array<i32>} : memref<1x16x256x512xf32, #tpu.memory_space<vmem>>, vector<1x1x256x512xf32>,
    %get3A_355 = arith.constant 1 : index
    %get3A_356 = arith.constant 9 : index
    %get3A_357 = memref.load %arg2[%get3A_355, %get3A_356] : memref<5x16xf32, #tpu.memory_space<smem>>
    %get3A_358 = arith.constant 0 : index
    %get3A_359 = arith.constant 9 : index
    %get3A_360 = memref.load %arg2[%get3A_358, %get3A_359] : memref<5x16xf32, #tpu.memory_space<smem>>
    %broadcast_in_dim3A_361 = vector.broadcast %get3A_357 : f32 to vector<256x512xf32>
    %broadcast_in_dim3A_362 = vector.broadcast %get3A_360 : f32 to vector<256x512xf32>
    %select_n3A_363 = arith.select %eq3A_7, %broadcast_in_dim3A_361, %broadcast_in_dim3A_362 : vector<256x512xi1>, vector<256x512xf32>
    %get3A_364 = arith.constant 2 : index
    %get3A_365 = arith.constant 9 : index
    %get3A_366 = memref.load %arg2[%get3A_364, %get3A_365] : memref<5x16xf32, #tpu.memory_space<smem>>
    %broadcast_in_dim3A_367 = vector.broadcast %get3A_366 : f32 to vector<256x512xf32>
    %select_n3A_368 = arith.select %eq3A_10, %broadcast_in_dim3A_367, %select_n3A_363 : vector<256x512xi1>, vector<256x512xf32>
    %get3A_369 = arith.constant 3 : index
    %get3A_370 = arith.constant 9 : index
    %get3A_371 = memref.load %arg2[%get3A_369, %get3A_370] : memref<5x16xf32, #tpu.memory_space<smem>>
    %broadcast_in_dim3A_372 = vector.broadcast %get3A_371 : f32 to vector<256x512xf32>
    %select_n3A_373 = arith.select %eq3A_13, %broadcast_in_dim3A_372, %select_n3A_368 : vector<256x512xi1>, vector<256x512xf32>
    %get3A_374 = arith.constant 4 : index
    %get3A_375 = arith.constant 9 : index
    %get3A_376 = memref.load %arg2[%get3A_374, %get3A_375] : memref<5x16xf32, #tpu.memory_space<smem>>
    %broadcast_in_dim3A_377 = vector.broadcast %get3A_376 : f32 to vector<256x512xf32>
    %select_n3A_378 = arith.select %eq3A_16, %broadcast_in_dim3A_377, %select_n3A_373 : vector<256x512xi1>, vector<256x512xf32>
    %slice3A_379 = vector.extract_strided_slice %get3A_21 {offsets = [0, 9], sizes = [256, 1], strides = [1, 1]} : vector<256x16xf32> to vector<256x1xf32>
    %slice3A_380 = vector.extract_strided_slice %transpose3A {offsets = [9, 0], sizes = [1, 512], strides = [1, 1]} : vector<16x512xf32> to vector<1x512xf32>
    %add3A_381 = vector.broadcast %slice3A_379 : vector<256x1xf32> to vector<256x512xf32>
    %add3A_382 = vector.broadcast %slice3A_380 : vector<1x512xf32> to vector<256x512xf32>
    %add3A_383 = arith.addf %add3A_381, %add3A_382 : vector<256x512xf32>
    %add3A_384 = arith.addf %select_n3A_378, %add3A_383 : vector<256x512xf32>
    %swap3A_385 = arith.constant 0 : index
    %swap3A_386 = arith.constant 9 : index
    %swap3A_387 = arith.constant 0 : index
    %swap3A_388 = arith.constant 0 : index
    %swap3A_389 = vector.load %arg6[%swap3A_385, %swap3A_386, %swap3A_387, %swap3A_388] : memref<1x16x256x512xf32, #tpu.memory_space<vmem>>, vector<1x1x256x512xf32>
    %swap3A_390 = vector.shape_cast %swap3A_389 : vector<1x1x256x512xf32> to vector<256x512xf32>
    %swap3A_391 = vector.shape_cast %add3A_384 : vector<256x512xf32> to vector<1x1x256x512xf32>
    tpu.vector_store %arg6[%swap3A_385, %swap3A_386, %swap3A_387, %swap3A_388], %swap3A_391 {strides = array<i32>} : memref<1x16x256x512xf32, #tpu.memory_space<vmem>>, vector<1x1x256x512xf32>,
    %get3A_392 = arith.constant 1 : index
    %get3A_393 = arith.constant 10 : index
    %get3A_394 = memref.load %arg2[%get3A_392, %get3A_393] : memref<5x16xf32, #tpu.memory_space<smem>>
    %get3A_395 = arith.constant 0 : index
    %get3A_396 = arith.constant 10 : index
    %get3A_397 = memref.load %arg2[%get3A_395, %get3A_396] : memref<5x16xf32, #tpu.memory_space<smem>>
    %broadcast_in_dim3A_398 = vector.broadcast %get3A_394 : f32 to vector<256x512xf32>
    %broadcast_in_dim3A_399 = vector.broadcast %get3A_397 : f32 to vector<256x512xf32>
    %select_n3A_400 = arith.select %eq3A_7, %broadcast_in_dim3A_398, %broadcast_in_dim3A_399 : vector<256x512xi1>, vector<256x512xf32>
    %get3A_401 = arith.constant 2 : index
    %get3A_402 = arith.constant 10 : index
    %get3A_403 = memref.load %arg2[%get3A_401, %get3A_402] : memref<5x16xf32, #tpu.memory_space<smem>>
    %broadcast_in_dim3A_404 = vector.broadcast %get3A_403 : f32 to vector<256x512xf32>
    %select_n3A_405 = arith.select %eq3A_10, %broadcast_in_dim3A_404, %select_n3A_400 : vector<256x512xi1>, vector<256x512xf32>
    %get3A_406 = arith.constant 3 : index
    %get3A_407 = arith.constant 10 : index
    %get3A_408 = memref.load %arg2[%get3A_406, %get3A_407] : memref<5x16xf32, #tpu.memory_space<smem>>
    %broadcast_in_dim3A_409 = vector.broadcast %get3A_408 : f32 to vector<256x512xf32>
    %select_n3A_410 = arith.select %eq3A_13, %broadcast_in_dim3A_409, %select_n3A_405 : vector<256x512xi1>, vector<256x512xf32>
    %get3A_411 = arith.constant 4 : index
    %get3A_412 = arith.constant 10 : index
    %get3A_413 = memref.load %arg2[%get3A_411, %get3A_412] : memref<5x16xf32, #tpu.memory_space<smem>>
    %broadcast_in_dim3A_414 = vector.broadcast %get3A_413 : f32 to vector<256x512xf32>
    %select_n3A_415 = arith.select %eq3A_16, %broadcast_in_dim3A_414, %select_n3A_410 : vector<256x512xi1>, vector<256x512xf32>
    %slice3A_416 = vector.extract_strided_slice %get3A_21 {offsets = [0, 10], sizes = [256, 1], strides = [1, 1]} : vector<256x16xf32> to vector<256x1xf32>
    %slice3A_417 = vector.extract_strided_slice %transpose3A {offsets = [10, 0], sizes = [1, 512], strides = [1, 1]} : vector<16x512xf32> to vector<1x512xf32>
    %add3A_418 = vector.broadcast %slice3A_416 : vector<256x1xf32> to vector<256x512xf32>
    %add3A_419 = vector.broadcast %slice3A_417 : vector<1x512xf32> to vector<256x512xf32>
    %add3A_420 = arith.addf %add3A_418, %add3A_419 : vector<256x512xf32>
    %add3A_421 = arith.addf %select_n3A_415, %add3A_420 : vector<256x512xf32>
    %swap3A_422 = arith.constant 0 : index
    %swap3A_423 = arith.constant 10 : index
    %swap3A_424 = arith.constant 0 : index
    %swap3A_425 = arith.constant 0 : index
    %swap3A_426 = vector.load %arg6[%swap3A_422, %swap3A_423, %swap3A_424, %swap3A_425] : memref<1x16x256x512xf32, #tpu.memory_space<vmem>>, vector<1x1x256x512xf32>
    %swap3A_427 = vector.shape_cast %swap3A_426 : vector<1x1x256x512xf32> to vector<256x512xf32>
    %swap3A_428 = vector.shape_cast %add3A_421 : vector<256x512xf32> to vector<1x1x256x512xf32>
    tpu.vector_store %arg6[%swap3A_422, %swap3A_423, %swap3A_424, %swap3A_425], %swap3A_428 {strides = array<i32>} : memref<1x16x256x512xf32, #tpu.memory_space<vmem>>, vector<1x1x256x512xf32>,
    %get3A_429 = arith.constant 1 : index
    %get3A_430 = arith.constant 11 : index
    %get3A_431 = memref.load %arg2[%get3A_429, %get3A_430] : memref<5x16xf32, #tpu.memory_space<smem>>
    %get3A_432 = arith.constant 0 : index
    %get3A_433 = arith.constant 11 : index
    %get3A_434 = memref.load %arg2[%get3A_432, %get3A_433] : memref<5x16xf32, #tpu.memory_space<smem>>
    %broadcast_in_dim3A_435 = vector.broadcast %get3A_431 : f32 to vector<256x512xf32>
    %broadcast_in_dim3A_436 = vector.broadcast %get3A_434 : f32 to vector<256x512xf32>
    %select_n3A_437 = arith.select %eq3A_7, %broadcast_in_dim3A_435, %broadcast_in_dim3A_436 : vector<256x512xi1>, vector<256x512xf32>
    %get3A_438 = arith.constant 2 : index
    %get3A_439 = arith.constant 11 : index
    %get3A_440 = memref.load %arg2[%get3A_438, %get3A_439] : memref<5x16xf32, #tpu.memory_space<smem>>
    %broadcast_in_dim3A_441 = vector.broadcast %get3A_440 : f32 to vector<256x512xf32>
    %select_n3A_442 = arith.select %eq3A_10, %broadcast_in_dim3A_441, %select_n3A_437 : vector<256x512xi1>, vector<256x512xf32>
    %get3A_443 = arith.constant 3 : index
    %get3A_444 = arith.constant 11 : index
    %get3A_445 = memref.load %arg2[%get3A_443, %get3A_444] : memref<5x16xf32, #tpu.memory_space<smem>>
    %broadcast_in_dim3A_446 = vector.broadcast %get3A_445 : f32 to vector<256x512xf32>
    %select_n3A_447 = arith.select %eq3A_13, %broadcast_in_dim3A_446, %select_n3A_442 : vector<256x512xi1>, vector<256x512xf32>
    %get3A_448 = arith.constant 4 : index
    %get3A_449 = arith.constant 11 : index
    %get3A_450 = memref.load %arg2[%get3A_448, %get3A_449] : memref<5x16xf32, #tpu.memory_space<smem>>
    %broadcast_in_dim3A_451 = vector.broadcast %get3A_450 : f32 to vector<256x512xf32>
    %select_n3A_452 = arith.select %eq3A_16, %broadcast_in_dim3A_451, %select_n3A_447 : vector<256x512xi1>, vector<256x512xf32>
    %slice3A_453 = vector.extract_strided_slice %get3A_21 {offsets = [0, 11], sizes = [256, 1], strides = [1, 1]} : vector<256x16xf32> to vector<256x1xf32>
    %slice3A_454 = vector.extract_strided_slice %transpose3A {offsets = [11, 0], sizes = [1, 512], strides = [1, 1]} : vector<16x512xf32> to vector<1x512xf32>
    %add3A_455 = vector.broadcast %slice3A_453 : vector<256x1xf32> to vector<256x512xf32>
    %add3A_456 = vector.broadcast %slice3A_454 : vector<1x512xf32> to vector<256x512xf32>
    %add3A_457 = arith.addf %add3A_455, %add3A_456 : vector<256x512xf32>
    %add3A_458 = arith.addf %select_n3A_452, %add3A_457 : vector<256x512xf32>
    %swap3A_459 = arith.constant 0 : index
    %swap3A_460 = arith.constant 11 : index
    %swap3A_461 = arith.constant 0 : index
    %swap3A_462 = arith.constant 0 : index
    %swap3A_463 = vector.load %arg6[%swap3A_459, %swap3A_460, %swap3A_461, %swap3A_462] : memref<1x16x256x512xf32, #tpu.memory_space<vmem>>, vector<1x1x256x512xf32>
    %swap3A_464 = vector.shape_cast %swap3A_463 : vector<1x1x256x512xf32> to vector<256x512xf32>
    %swap3A_465 = vector.shape_cast %add3A_458 : vector<256x512xf32> to vector<1x1x256x512xf32>
    tpu.vector_store %arg6[%swap3A_459, %swap3A_460, %swap3A_461, %swap3A_462], %swap3A_465 {strides = array<i32>} : memref<1x16x256x512xf32, #tpu.memory_space<vmem>>, vector<1x1x256x512xf32>,
    %get3A_466 = arith.constant 1 : index
    %get3A_467 = arith.constant 12 : index
    %get3A_468 = memref.load %arg2[%get3A_466, %get3A_467] : memref<5x16xf32, #tpu.memory_space<smem>>
    %get3A_469 = arith.constant 0 : index
    %get3A_470 = arith.constant 12 : index
    %get3A_471 = memref.load %arg2[%get3A_469, %get3A_470] : memref<5x16xf32, #tpu.memory_space<smem>>
    %broadcast_in_dim3A_472 = vector.broadcast %get3A_468 : f32 to vector<256x512xf32>
    %broadcast_in_dim3A_473 = vector.broadcast %get3A_471 : f32 to vector<256x512xf32>
    %select_n3A_474 = arith.select %eq3A_7, %broadcast_in_dim3A_472, %broadcast_in_dim3A_473 : vector<256x512xi1>, vector<256x512xf32>
    %get3A_475 = arith.constant 2 : index
    %get3A_476 = arith.constant 12 : index
    %get3A_477 = memref.load %arg2[%get3A_475, %get3A_476] : memref<5x16xf32, #tpu.memory_space<smem>>
    %broadcast_in_dim3A_478 = vector.broadcast %get3A_477 : f32 to vector<256x512xf32>
    %select_n3A_479 = arith.select %eq3A_10, %broadcast_in_dim3A_478, %select_n3A_474 : vector<256x512xi1>, vector<256x512xf32>
    %get3A_480 = arith.constant 3 : index
    %get3A_481 = arith.constant 12 : index
    %get3A_482 = memref.load %arg2[%get3A_480, %get3A_481] : memref<5x16xf32, #tpu.memory_space<smem>>
    %broadcast_in_dim3A_483 = vector.broadcast %get3A_482 : f32 to vector<256x512xf32>
    %select_n3A_484 = arith.select %eq3A_13, %broadcast_in_dim3A_483, %select_n3A_479 : vector<256x512xi1>, vector<256x512xf32>
    %get3A_485 = arith.constant 4 : index
    %get3A_486 = arith.constant 12 : index
    %get3A_487 = memref.load %arg2[%get3A_485, %get3A_486] : memref<5x16xf32, #tpu.memory_space<smem>>
    %broadcast_in_dim3A_488 = vector.broadcast %get3A_487 : f32 to vector<256x512xf32>
    %select_n3A_489 = arith.select %eq3A_16, %broadcast_in_dim3A_488, %select_n3A_484 : vector<256x512xi1>, vector<256x512xf32>
    %slice3A_490 = vector.extract_strided_slice %get3A_21 {offsets = [0, 12], sizes = [256, 1], strides = [1, 1]} : vector<256x16xf32> to vector<256x1xf32>
    %slice3A_491 = vector.extract_strided_slice %transpose3A {offsets = [12, 0], sizes = [1, 512], strides = [1, 1]} : vector<16x512xf32> to vector<1x512xf32>
    %add3A_492 = vector.broadcast %slice3A_490 : vector<256x1xf32> to vector<256x512xf32>
    %add3A_493 = vector.broadcast %slice3A_491 : vector<1x512xf32> to vector<256x512xf32>
    %add3A_494 = arith.addf %add3A_492, %add3A_493 : vector<256x512xf32>
    %add3A_495 = arith.addf %select_n3A_489, %add3A_494 : vector<256x512xf32>
    %swap3A_496 = arith.constant 0 : index
    %swap3A_497 = arith.constant 12 : index
    %swap3A_498 = arith.constant 0 : index
    %swap3A_499 = arith.constant 0 : index
    %swap3A_500 = vector.load %arg6[%swap3A_496, %swap3A_497, %swap3A_498, %swap3A_499] : memref<1x16x256x512xf32, #tpu.memory_space<vmem>>, vector<1x1x256x512xf32>
    %swap3A_501 = vector.shape_cast %swap3A_500 : vector<1x1x256x512xf32> to vector<256x512xf32>
    %swap3A_502 = vector.shape_cast %add3A_495 : vector<256x512xf32> to vector<1x1x256x512xf32>
    tpu.vector_store %arg6[%swap3A_496, %swap3A_497, %swap3A_498, %swap3A_499], %swap3A_502 {strides = array<i32>} : memref<1x16x256x512xf32, #tpu.memory_space<vmem>>, vector<1x1x256x512xf32>,
    %get3A_503 = arith.constant 1 : index
    %get3A_504 = arith.constant 13 : index
    %get3A_505 = memref.load %arg2[%get3A_503, %get3A_504] : memref<5x16xf32, #tpu.memory_space<smem>>
    %get3A_506 = arith.constant 0 : index
    %get3A_507 = arith.constant 13 : index
    %get3A_508 = memref.load %arg2[%get3A_506, %get3A_507] : memref<5x16xf32, #tpu.memory_space<smem>>
    %broadcast_in_dim3A_509 = vector.broadcast %get3A_505 : f32 to vector<256x512xf32>
    %broadcast_in_dim3A_510 = vector.broadcast %get3A_508 : f32 to vector<256x512xf32>
    %select_n3A_511 = arith.select %eq3A_7, %broadcast_in_dim3A_509, %broadcast_in_dim3A_510 : vector<256x512xi1>, vector<256x512xf32>
    %get3A_512 = arith.constant 2 : index
    %get3A_513 = arith.constant 13 : index
    %get3A_514 = memref.load %arg2[%get3A_512, %get3A_513] : memref<5x16xf32, #tpu.memory_space<smem>>
    %broadcast_in_dim3A_515 = vector.broadcast %get3A_514 : f32 to vector<256x512xf32>
    %select_n3A_516 = arith.select %eq3A_10, %broadcast_in_dim3A_515, %select_n3A_511 : vector<256x512xi1>, vector<256x512xf32>
    %get3A_517 = arith.constant 3 : index
    %get3A_518 = arith.constant 13 : index
    %get3A_519 = memref.load %arg2[%get3A_517, %get3A_518] : memref<5x16xf32, #tpu.memory_space<smem>>
    %broadcast_in_dim3A_520 = vector.broadcast %get3A_519 : f32 to vector<256x512xf32>
    %select_n3A_521 = arith.select %eq3A_13, %broadcast_in_dim3A_520, %select_n3A_516 : vector<256x512xi1>, vector<256x512xf32>
    %get3A_522 = arith.constant 4 : index
    %get3A_523 = arith.constant 13 : index
    %get3A_524 = memref.load %arg2[%get3A_522, %get3A_523] : memref<5x16xf32, #tpu.memory_space<smem>>
    %broadcast_in_dim3A_525 = vector.broadcast %get3A_524 : f32 to vector<256x512xf32>
    %select_n3A_526 = arith.select %eq3A_16, %broadcast_in_dim3A_525, %select_n3A_521 : vector<256x512xi1>, vector<256x512xf32>
    %slice3A_527 = vector.extract_strided_slice %get3A_21 {offsets = [0, 13], sizes = [256, 1], strides = [1, 1]} : vector<256x16xf32> to vector<256x1xf32>
    %slice3A_528 = vector.extract_strided_slice %transpose3A {offsets = [13, 0], sizes = [1, 512], strides = [1, 1]} : vector<16x512xf32> to vector<1x512xf32>
    %add3A_529 = vector.broadcast %slice3A_527 : vector<256x1xf32> to vector<256x512xf32>
    %add3A_530 = vector.broadcast %slice3A_528 : vector<1x512xf32> to vector<256x512xf32>
    %add3A_531 = arith.addf %add3A_529, %add3A_530 : vector<256x512xf32>
    %add3A_532 = arith.addf %select_n3A_526, %add3A_531 : vector<256x512xf32>
    %swap3A_533 = arith.constant 0 : index
    %swap3A_534 = arith.constant 13 : index
    %swap3A_535 = arith.constant 0 : index
    %swap3A_536 = arith.constant 0 : index
    %swap3A_537 = vector.load %arg6[%swap3A_533, %swap3A_534, %swap3A_535, %swap3A_536] : memref<1x16x256x512xf32, #tpu.memory_space<vmem>>, vector<1x1x256x512xf32>
    %swap3A_538 = vector.shape_cast %swap3A_537 : vector<1x1x256x512xf32> to vector<256x512xf32>
    %swap3A_539 = vector.shape_cast %add3A_532 : vector<256x512xf32> to vector<1x1x256x512xf32>
    tpu.vector_store %arg6[%swap3A_533, %swap3A_534, %swap3A_535, %swap3A_536], %swap3A_539 {strides = array<i32>} : memref<1x16x256x512xf32, #tpu.memory_space<vmem>>, vector<1x1x256x512xf32>,
    %get3A_540 = arith.constant 1 : index
    %get3A_541 = arith.constant 14 : index
    %get3A_542 = memref.load %arg2[%get3A_540, %get3A_541] : memref<5x16xf32, #tpu.memory_space<smem>>
    %get3A_543 = arith.constant 0 : index
    %get3A_544 = arith.constant 14 : index
    %get3A_545 = memref.load %arg2[%get3A_543, %get3A_544] : memref<5x16xf32, #tpu.memory_space<smem>>
    %broadcast_in_dim3A_546 = vector.broadcast %get3A_542 : f32 to vector<256x512xf32>
    %broadcast_in_dim3A_547 = vector.broadcast %get3A_545 : f32 to vector<256x512xf32>
    %select_n3A_548 = arith.select %eq3A_7, %broadcast_in_dim3A_546, %broadcast_in_dim3A_547 : vector<256x512xi1>, vector<256x512xf32>
    %get3A_549 = arith.constant 2 : index
    %get3A_550 = arith.constant 14 : index
    %get3A_551 = memref.load %arg2[%get3A_549, %get3A_550] : memref<5x16xf32, #tpu.memory_space<smem>>
    %broadcast_in_dim3A_552 = vector.broadcast %get3A_551 : f32 to vector<256x512xf32>
    %select_n3A_553 = arith.select %eq3A_10, %broadcast_in_dim3A_552, %select_n3A_548 : vector<256x512xi1>, vector<256x512xf32>
    %get3A_554 = arith.constant 3 : index
    %get3A_555 = arith.constant 14 : index
    %get3A_556 = memref.load %arg2[%get3A_554, %get3A_555] : memref<5x16xf32, #tpu.memory_space<smem>>
    %broadcast_in_dim3A_557 = vector.broadcast %get3A_556 : f32 to vector<256x512xf32>
    %select_n3A_558 = arith.select %eq3A_13, %broadcast_in_dim3A_557, %select_n3A_553 : vector<256x512xi1>, vector<256x512xf32>
    %get3A_559 = arith.constant 4 : index
    %get3A_560 = arith.constant 14 : index
    %get3A_561 = memref.load %arg2[%get3A_559, %get3A_560] : memref<5x16xf32, #tpu.memory_space<smem>>
    %broadcast_in_dim3A_562 = vector.broadcast %get3A_561 : f32 to vector<256x512xf32>
    %select_n3A_563 = arith.select %eq3A_16, %broadcast_in_dim3A_562, %select_n3A_558 : vector<256x512xi1>, vector<256x512xf32>
    %slice3A_564 = vector.extract_strided_slice %get3A_21 {offsets = [0, 14], sizes = [256, 1], strides = [1, 1]} : vector<256x16xf32> to vector<256x1xf32>
    %slice3A_565 = vector.extract_strided_slice %transpose3A {offsets = [14, 0], sizes = [1, 512], strides = [1, 1]} : vector<16x512xf32> to vector<1x512xf32>
    %add3A_566 = vector.broadcast %slice3A_564 : vector<256x1xf32> to vector<256x512xf32>
    %add3A_567 = vector.broadcast %slice3A_565 : vector<1x512xf32> to vector<256x512xf32>
    %add3A_568 = arith.addf %add3A_566, %add3A_567 : vector<256x512xf32>
    %add3A_569 = arith.addf %select_n3A_563, %add3A_568 : vector<256x512xf32>
    %swap3A_570 = arith.constant 0 : index
    %swap3A_571 = arith.constant 14 : index
    %swap3A_572 = arith.constant 0 : index
    %swap3A_573 = arith.constant 0 : index
    %swap3A_574 = vector.load %arg6[%swap3A_570, %swap3A_571, %swap3A_572, %swap3A_573] : memref<1x16x256x512xf32, #tpu.memory_space<vmem>>, vector<1x1x256x512xf32>
    %swap3A_575 = vector.shape_cast %swap3A_574 : vector<1x1x256x512xf32> to vector<256x512xf32>
    %swap3A_576 = vector.shape_cast %add3A_569 : vector<256x512xf32> to vector<1x1x256x512xf32>
    tpu.vector_store %arg6[%swap3A_570, %swap3A_571, %swap3A_572, %swap3A_573], %swap3A_576 {strides = array<i32>} : memref<1x16x256x512xf32, #tpu.memory_space<vmem>>, vector<1x1x256x512xf32>,
    %get3A_577 = arith.constant 1 : index
    %get3A_578 = arith.constant 15 : index
    %get3A_579 = memref.load %arg2[%get3A_577, %get3A_578] : memref<5x16xf32, #tpu.memory_space<smem>>
    %get3A_580 = arith.constant 0 : index
    %get3A_581 = arith.constant 15 : index
    %get3A_582 = memref.load %arg2[%get3A_580, %get3A_581] : memref<5x16xf32, #tpu.memory_space<smem>>
    %broadcast_in_dim3A_583 = vector.broadcast %get3A_579 : f32 to vector<256x512xf32>
    %broadcast_in_dim3A_584 = vector.broadcast %get3A_582 : f32 to vector<256x512xf32>
    %select_n3A_585 = arith.select %eq3A_7, %broadcast_in_dim3A_583, %broadcast_in_dim3A_584 : vector<256x512xi1>, vector<256x512xf32>
    %get3A_586 = arith.constant 2 : index
    %get3A_587 = arith.constant 15 : index
    %get3A_588 = memref.load %arg2[%get3A_586, %get3A_587] : memref<5x16xf32, #tpu.memory_space<smem>>
    %broadcast_in_dim3A_589 = vector.broadcast %get3A_588 : f32 to vector<256x512xf32>
    %select_n3A_590 = arith.select %eq3A_10, %broadcast_in_dim3A_589, %select_n3A_585 : vector<256x512xi1>, vector<256x512xf32>
    %get3A_591 = arith.constant 3 : index
    %get3A_592 = arith.constant 15 : index
    %get3A_593 = memref.load %arg2[%get3A_591, %get3A_592] : memref<5x16xf32, #tpu.memory_space<smem>>
    %broadcast_in_dim3A_594 = vector.broadcast %get3A_593 : f32 to vector<256x512xf32>
    %select_n3A_595 = arith.select %eq3A_13, %broadcast_in_dim3A_594, %select_n3A_590 : vector<256x512xi1>, vector<256x512xf32>
    %get3A_596 = arith.constant 4 : index
    %get3A_597 = arith.constant 15 : index
    %get3A_598 = memref.load %arg2[%get3A_596, %get3A_597] : memref<5x16xf32, #tpu.memory_space<smem>>
    %broadcast_in_dim3A_599 = vector.broadcast %get3A_598 : f32 to vector<256x512xf32>
    %select_n3A_600 = arith.select %eq3A_16, %broadcast_in_dim3A_599, %select_n3A_595 : vector<256x512xi1>, vector<256x512xf32>
    %slice3A_601 = vector.extract_strided_slice %get3A_21 {offsets = [0, 15], sizes = [256, 1], strides = [1, 1]} : vector<256x16xf32> to vector<256x1xf32>
    %slice3A_602 = vector.extract_strided_slice %transpose3A {offsets = [15, 0], sizes = [1, 512], strides = [1, 1]} : vector<16x512xf32> to vector<1x512xf32>
    %add3A_603 = vector.broadcast %slice3A_601 : vector<256x1xf32> to vector<256x512xf32>
    %add3A_604 = vector.broadcast %slice3A_602 : vector<1x512xf32> to vector<256x512xf32>
    %add3A_605 = arith.addf %add3A_603, %add3A_604 : vector<256x512xf32>
    %add3A_606 = arith.addf %select_n3A_600, %add3A_605 : vector<256x512xf32>
    %swap3A_607 = arith.constant 0 : index
    %swap3A_608 = arith.constant 15 : index
    %swap3A_609 = arith.constant 0 : index
    %swap3A_610 = arith.constant 0 : index
    %swap3A_611 = vector.load %arg6[%swap3A_607, %swap3A_608, %swap3A_609, %swap3A_610] : memref<1x16x256x512xf32, #tpu.memory_space<vmem>>, vector<1x1x256x512xf32>
    %swap3A_612 = vector.shape_cast %swap3A_611 : vector<1x1x256x512xf32> to vector<256x512xf32>
    %swap3A_613 = vector.shape_cast %add3A_606 : vector<256x512xf32> to vector<1x1x256x512xf32>
    tpu.vector_store %arg6[%swap3A_607, %swap3A_608, %swap3A_609, %swap3A_610], %swap3A_613 {strides = array<i32>} : memref<1x16x256x512xf32, #tpu.memory_space<vmem>>, vector<1x1x256x512xf32>,
    return
  }
  func.func @transform_0(%arg0: i32, %arg1: i32) -> (i32, i32) {
    %c0_i32 = arith.constant 0 : i32
    %c0_i32_0 = arith.constant 0 : i32
    %c0_i32_1 = arith.constant 0 : i32
    return %c0_i32, %c0_i32_0 : i32, i32
  }
  func.func @transform_1(%arg0: i32, %arg1: i32) -> (i32, i32, i32) {
    %c0_i32 = arith.constant 0 : i32
    %c0_i32_0 = arith.constant 0 : i32
    return %arg0, %arg1, %c0_i32 : i32, i32, i32
  }
  func.func @transform_2(%arg0: i32, %arg1: i32) -> (i32, i32, i32) {
    %c0_i32 = arith.constant 0 : i32
    %c0_i32_0 = arith.constant 0 : i32
    return %arg0, %arg1, %c0_i32 : i32, i32, i32
  }
  func.func @transform_3(%arg0: i32, %arg1: i32) -> (i32, i32, i32) {
    %c0_i32 = arith.constant 0 : i32
    %c0_i32_0 = arith.constant 0 : i32
    %c0_i32_1 = arith.constant 0 : i32
    return %arg0, %c0_i32, %c0_i32_0 : i32, i32, i32
  }
  func.func @transform_4(%arg0: i32, %arg1: i32) -> (i32, i32, i32, i32) {
    %c0_i32 = arith.constant 0 : i32
    %c0_i32_0 = arith.constant 0 : i32
    %c0_i32_1 = arith.constant 0 : i32
    return %arg0, %c0_i32, %arg1, %c0_i32_0 : i32, i32, i32, i32
  }
}

</mosaic_0001>

<sc_bundles>
// kernel: kernel.4.cloned.1.call-start
scs
__scs_entry_jumppad:
0x0: {  	(pc) =	sbr.rel $0x88, $3  }
0x1: {  	(tag) =	ssettag $0x0;
	lr =	simm.s32 $0x1  }
0x2: {  	[smem:$0x3F9D] =	sst lr;
	_ =	strace $0xD0000000  }
0x3: {  	_ = 	snop  }
0x4: {  	_ = 	snop  }
0x5: {  	_ = 	snop  }
0x6: {  	_ = 	snop  }
0x7: {  	_ = 	snop  }
__scs_overlays_trampoline_lowered:
0x8: {  	[smem:$0x3FAC] =	sst s0  }
0x9: {  	[smem:$0x3FAD] =	sst s1  }
0xa: {  	[smem:$0x3FAE] =	sst s2  }
0xb: {  	[smem:$0x3FAF] =	sst s3  }
0xc: {  	[smem:$0x3FB0] =	sst s4  }
0xd: {  	[smem:$0x3FB1] =	sst s5  }
0xe: {  	[smem:$0x3FB2] =	sst s6  }
0xf: {  	[smem:$0x3FB3] =	sst s7  }
0x10: {  	[smem:$0x3FB4] =	sst s8  }
0x11: {  	[smem:$0x3FB5] =	sst s9;
	s0 =	simm.s32 @!p0 $0x0  }
0x12: {  	s1 =	sld [smem:$0x3F9B];
	s0 =	simm.s32 @p0 $0x1  }
0x13: {  	[smem:$0x3FB6] =	sst s0;
	s0 =	simm.s32 @!p1 $0x0  }
0x14: {  	s2 =	sld [smem:$0x3F9A];
	s0 =	simm.s32 @p1 $0x1  }
0x15: {  	[smem:$0x3FB7] =	sst s0;
	s0 =	simm.s32 @!p2 $0x0  }
0x16: {  	s3 =	sld [smem:$0x3FDB];
	s0 =	simm.s32 @p2 $0x1  }
0x17: {  	s4 =	simm.s32 $0x1BF5;
	[smem:$0x3FB9] =	sst s0  }
0x18: {  	s0 =	sld [smem:$0x3F9C];
	_ =	swait.ge [sflag:s4], $0x0  }
0x19: {  	s7 =	sld [smem:$0x3F9D]  }
0x1a: {  	s8 =	sadd.s32 $0xFFFFE003, lr  }
0x1b: {  	s9 =	sadd.s32 $0xFFFFFEF7, lr;
	s5 =	simm.s32 $0xFFFFFFFF;
	p2 =	slt.u32 s8, $0xFFFFF086  }
0x1c: {  	p1 =	slt.u32 s9, $0xF7A;
	s5 =	simm.s32 @!p2 $0x0  }
0x1d: {  	s5 =	simm.s32 @p1 $0x1;
	p0 =	seq.s32 s7, s2  }
0x1e: {  	s7 =	smul.u32 @!p0 $0xF7A, s2;
	p2 =	seq.s32 @!p0 s5, $0x0  }
0x1f: {  	s9 =	smul.u32 $0xF7A, s1;
	s8 =	simm.s32 @!p0 $0x1BF5;
	p2 =	por !p2, p0  }
0x20: {  	[sflag:s8] =	ssyncset.s32 @!p0 $0xFFFFF086;
	s6 =	sadd.s32 @!p0 s3, s7;
	s7 =	simm.s32 @!p0 $0x108  }
0x21: {  	s3 =	sadd.s32 s3, s9;
	s6 =	sadd.s32 @!p0 $0x88, s6;
	s7 =	simm.s32 @p2 $0x1082  }
0x22: {  	[simem:s7], [sflag:s8] =	dma.local @!p0 [hbm:s6], $0xF7A  }
0x23: {  	s9 =	sor.u32 $0xD0000000, s2;
	s6 =	simm.s32 $0x108;
	_ =	swait.ge @!p0 [sflag:s8], $0x0  }
0x24: {  	s3 =	sadd.s32 $0x88, s3;
	s6 =	simm.s32 @!p1 $0x1082;
	[sflag:s4] =	ssyncset.s32 $0xFFFFF086  }
0x25: {  	[simem:s6], [sflag:s4] =	dma.local [hbm:s3], $0xF7A  }
0x26: {  	[smem:$0x3F9D] =	sst s1;
	(tag) =	ssettag s2;
	_ =	strace s9  }
0x27: {  	s1 =	sld [smem:$0x3FAD]  }
0x28: {  	s2 =	sld [smem:$0x3FAE]  }
0x29: {  	s4 =	sld [smem:$0x3FB0]  }
0x2a: {  	p0 =	seq.s32 s5, $0x0;
	s5 =	sld [smem:$0x3FB1]  }
0x2b: {  	s6 =	sld [smem:$0x3FB2]  }
0x2c: {  	s7 =	sld [smem:$0x3FB3]  }
0x2d: {  	s3 =	simm.s32 $0x108;
	s8 =	sld [smem:$0x3FB4]  }
0x2e: {  	s3 =	simm.s32 @!p0 $0x1082;
	s9 =	sld [smem:$0x3FB5]  }
0x2f: {  	lr =	sadd.s32 s0, s3;
	s0 =	sld [smem:$0x3FAC]  }
0x30: {  	s3 =	sld [smem:$0x3FAF]  }
0x31: {  	[smem:$0x3FB8] =	sst s10  }
0x32: {  	s10 =	sld [smem:$0x3FB6];
	_ =	sdelay $0x3  }
0x33: {  	p0 =	seq.s32 s10, $0x1;
	s10 =	sld [smem:$0x3FB8];
	_ =	sdelay $0x3  }
0x34: {  	[smem:$0x3FB8] =	sst s10  }
0x35: {  	s10 =	sld [smem:$0x3FB7];
	_ =	sdelay $0x3  }
0x36: {  	p1 =	seq.s32 s10, $0x1;
	s10 =	sld [smem:$0x3FB8];
	_ =	sdelay $0x3  }
0x37: {  	[smem:$0x3FB8] =	sst s10  }
0x38: {  	s10 =	sld [smem:$0x3FB9]  }
0x39: {  	_ = 	snop;
	(pc) =	sbr.ind lr, $3  }
0x3a: {  	_ = 	snop  }
0x3b: {  	_ = 	snop  }
0x3c: {  	p2 =	seq.s32 s10, $0x1;
	s10 =	sld [smem:$0x3FB8]  }
0x3d: {  	_ =	shalt  }
0x3e: {  	_ =	shalt  }
0x3f: {  	_ =	shalt  }
0x40: {  	_ =	shalt  }
0x41: {  	_ =	shalt  }
0x42: {  	_ =	shalt  }
0x43: {  	_ =	shalt  }
0x44: {  	_ =	shalt  }
0x45: {  	_ =	shalt  }
0x46: {  	_ =	shalt  }
0x47: {  	_ =	shalt  }
0x48: {  	_ =	shalt  }
0x49: {  	_ =	shalt  }
0x4a: {  	_ =	shalt  }
0x4b: {  	_ =	shalt  }
0x4c: {  	_ =	shalt  }
0x4d: {  	_ =	shalt  }
0x4e: {  	_ =	shalt  }
0x4f: {  	_ =	shalt  }
0x50: {  	_ =	shalt  }
0x51: {  	_ =	shalt  }
0x52: {  	_ =	shalt  }
0x53: {  	_ =	shalt  }
0x54: {  	_ =	shalt  }
0x55: {  	_ =	shalt  }
0x56: {  	_ =	shalt  }
0x57: {  	_ =	shalt  }
0x58: {  	_ =	shalt  }
0x59: {  	_ =	shalt  }
0x5a: {  	_ =	shalt  }
0x5b: {  	_ =	shalt  }
0x5c: {  	_ =	shalt  }
0x5d: {  	_ =	shalt  }
0x5e: {  	_ =	shalt  }
0x5f: {  	_ =	shalt  }
0x60: {  	_ =	shalt  }
0x61: {  	_ =	shalt  }
0x62: {  	_ =	shalt  }
0x63: {  	_ =	shalt  }
0x64: {  	_ =	shalt  }
0x65: {  	_ =	shalt  }
0x66: {  	_ =	shalt  }
0x67: {  	_ =	shalt  }
0x68: {  	_ =	shalt  }
0x69: {  	_ =	shalt  }
0x6a: {  	_ =	shalt  }
0x6b: {  	_ =	shalt  }
0x6c: {  	_ =	shalt  }
0x6d: {  	_ =	shalt  }
0x6e: {  	_ =	shalt  }
0x6f: {  	_ =	shalt  }
0x70: {  	_ =	shalt  }
0x71: {  	_ =	shalt  }
0x72: {  	_ =	shalt  }
0x73: {  	_ =	shalt  }
0x74: {  	_ =	shalt  }
0x75: {  	_ =	shalt  }
0x76: {  	_ =	shalt  }
0x77: {  	_ =	shalt  }
0x78: {  	_ =	shalt  }
0x79: {  	_ =	shalt  }
0x7a: {  	_ =	shalt  }
0x7b: {  	_ =	shalt  }
0x7c: {  	_ =	shalt  }
0x7d: {  	_ =	shalt  }
0x7e: {  	_ =	shalt  }
0x7f: {  	_ =	shalt  }
0x80: {  	_ =	shalt  }
0x81: {  	_ =	shalt  }
0x82: {  	_ =	shalt  }
0x83: {  	_ =	shalt  }
0x84: {  	_ =	shalt  }
0x85: {  	_ =	shalt  }
0x86: {  	_ =	shalt  }
0x87: {  	_ =	shalt  }
.Lfunc_end0:
.L_simem_size_0:
called_computation_lowered:
.L_overlay_start_0:
0x88: {  	s2 =	sld [smem:$0x3FD9]  }
0x89: {  	s3 =	sld [smem:$0x3FFE];
	_ =	sdelay $0x1  }
0x8a: {  	s1 =	srdreg.scid  }
0x8b: {  	s0 =	sand.u32 $0x1, s1  }
0x8c: {  	s17 =	sshll.u32 s0, $0xA;
	s2 =	sadd.s32 s3, s2  }
0x8d: {  	s2 =	sadd.s32 s2, s17  }
0x8e: {  	[smem:$0x3FC4] =	sst s2  }
0x8f: {  	_ = 	snop  }
0x90: {  	s2 =	sld [smem:$0x3FD0];
	(tm) =	ssettm $0x1  }
0x91: {  	s18 =	sld [smem:$0x3FFB];
	_ =	sdelay $0x3  }
0x92: {  	_ =	strace s18  }
0x93: {  	s3 =	sld [smem:$0x3FFC];
	_ =	sdelay $0x3  }
0x94: {  	_ =	strace s3  }
0x95: {  	s3 =	sld [smem:$0x3FFD];
	_ =	sdelay $0x3  }
0x96: {  	_ =	strace s3  }
0x97: {  	_ =	strace $0x8FFFFFFF  }
0x98: {  	s19 =	sld [smem:$0x3FDB];
	_ =	sdelay $0x1  }
0x99: {  	s4 =	simm.s32 $_scs_section_size  }
0x9a: {  	s5 =	simm.s32 $_size__tile_overlayer_lowered;
	s6 =	simm.s32 $_tile_overlayer_lowered  }
0x9b: {  	s22 =	simm.s32 $0x1BFF;
	s21 =	sshll.u32 s6, $0x1;
	s3 =	sadd.s32 s4, s19  }
0x9c: {  	s7 =	simm.s32 $0x0;
	s20 =	sshll.u32 s5, $0x1;
	s5 =	sadd.s32 s21, s3  }
0x9d: {  	[timem:s7], [sflag:s22] =	dma.local [hbm:s5], s20  }
0x9e: {  	_ =	swait.ge [sflag:s22], s20  }
0x9f: {  	s4 =	ssub.s32 $0x0, s20;
	[sflag:s22] =	ssyncset.done $0x0  }
0xa0: {  	[sflag:s22] =	ssyncadd.s32 s4;
	_ =	sdelay $0x1  }
0xa1: {  	s23 =	simm.s32 $0x1B8B  }
0xa2: {  	_ =	swait.ge [sflag:s23], $0x1  }
0xa3: {  	[sflag:s23] =	ssyncset.done $0x0  }
0xa4: {  	s25 =	simm.s32 $0x1B8E;
	s24 =	sld [smem:$0x3FFE];
	[sflag:s23] =	ssyncadd.s32 $0xFFFFFFFF  }
0xa5: {  	s26 =	simm.s32 $execute0_lowered;
	[smem:$0x3FD2] =	sst s25  }
0xa6: {  	s5 =	sshll.u32 s26, $0x1;
	_ =	strace $0x80000046;
	[dreg:$0x1] =	wrdreg $0xFFFFFFFF  }
0xa7: {  	s28 =	simm.s32 $_size_execute0_lowered;
	s3 =	sadd.s32 s3, s5;
	[dreg:$0x0] =	wrdreg $0x0  }
0xa8: {  	s5 =	sshll.u32 s28, $0x1;
	[dreg:$0x2] =	wrdreg s3  }
0xa9: {  	[dreg:$0x3] =	wrdreg s5  }
0xaa: {  	[dreg:$0x4] =	wrdreg $0xC0  }
0xab: {  	_ =	task [dreg:s7], $0x5FFFF  }
0xac: {  	[dreg:$0x1] =	wrdreg $0xFFFFFFFF  }
0xad: {  	[dreg:$0x0] =	wrdreg $0x60  }
0xae: {  	[dreg:$0x2] =	wrdreg s24  }
0xaf: {  	[dreg:$0x3] =	wrdreg s2  }
0xb0: {  	[dreg:$0x4] =	wrdreg $0x9  }
0xb1: {  	_ =	task.clear_ibuf [dreg:s7], $0x5FFFF;
	_ =	strace $0x90000046  }
0xb2: {  	s29 =	simm.s32 $0x9;
	_ =	strace $0x80000048  }
0xb3: {  	_ =	swait.ge [sflag:s29], $0x1  }
0xb4: {  	[sflag:s29] =	ssyncadd.s32 $0xFFFFFFFF  }
0xb5: {  	_ =	strace $0x90000048  }
0xb6: {  	_ =	sfence  }
0xb7: {  	s30 =	sld [smem:$0x0];
	_ =	sdelay $0x2  }
0xb8: {  	s31 =	sshll.u32 s1, $0xD;
	s1 =	sshrl.u32 s1, $0x2  }
0xb9: {  	s3 =	sand.u32 $0x4000, s31;
	s1 =	sadd.s32 s1, s30  }
0xba: {  	s0 =	sor.u32 s3, s0;
	s1 =	sshll.u32 s1, $0x11  }
0xbb: {  	s0 =	sor.u32 s1, s0  }
0xbc: {  	s0 =	sadd.s32 $0x8F2B, s0  }
0xbd: {  	[sflag:s0] =	ssyncadd.remote.s32 $0x1  }
0xbe: {  	_ =	sfence.sel $0xFFFF  }
0xbf: {  	[dreg:$0x0] =	wrdreg $0xFFFFFFFF;
	(pc) =	sbr.abs _section_cstart, $3  }
0xc0: {  	[dreg:$0x1] =	wrdreg $0xFFFFFFFF  }
0xc1: {  	_ =	task.clear_ibuf [dreg:s7], $0x2FFFF;
	_ =	strace $0x9FFFFFFF  }
0xc2: {  	(tm) =	ssettm $0x7FFFFFFF  }
0xc3: {  	_ =	shalt  }
tec
execute0_lowered:
.L_overlay_start_1:
0x0: {  	(tag) =	ssettag $0x1  }
0x1: {  	s1 =	srdreg.scid  }
0x2: {  	s0 =	stileid.u32;
	s10 =	sand.u32 $0x1, s1  }
0x3: {  	s5 =	rddreg [dreg:$0x0];
	s29 =	sshll.u32 s0, $0x9;
	s2 =	sshll.u32 s10, $0x8  }
0x4: {  	s11 =	rddreg [dreg:$0x1];
	s12 =	sor.u32 s2, s29  }
0x5: {  	s1 =	rddreg [dreg:$0x2];
	s2 =	simm.s32 $0x0;
	s3 =	sshrl.u32 s12, $0x3  }
0x6: {  	[smem:$0x7FF] =	sst s2;
	s3 =	sadd.s32 s3, s5  }
0x7: {  	_ =	strace $0x80000047;
	s4 =	sadd.s32 $0x800, s3;
	s3 =	simm.s32 $0x2  }
0x8: {  	[tilespmem:s2], [sflag:$0x2] =	stream.linear.gather [hbm4b:s4+s2], $0x100, $0x38;
	[tilespmem:$0x1100] =	vst v63  }
0x9: {  	_ =	swait.ge [sflag:s3], $0x100  }
0xa: {  	s6 =	simm.s32 $0x80;
	[sflag:s3] =	ssyncset.done $0x0  }
0xb: {  	s7 =	simm.s32 $0x100;
	s5 =	sadd.s32 $0xC00, s5;
	[sflag:s3] =	ssyncadd.s32 $0xFFFFFF00  }
0xc: {  	[tilespmem:s7], [sflag:$0x1] =	stream.indirect.gather [hbm4b:s5+s6], $0x10, s2, s6, $0xb8;
	[tilespmem:$0x1100] =	vst v63  }
0xd: {  	s8 =	simm.s32 $0x900;
	s9 =	simm.s32 $0x1;
	s10 =	ssub.s32 $0x2, s10  }
0xe: {  	[tilespmem:s8], [sflag:$0x1] =	stream.indirect.gather [hbm4b:s5+s6], $0x10, s6, s6, $0xb8;
	[tilespmem:$0x1100] =	vst v63  }
0xf: {  	s13 =	sshrl.u32 s10, $0x1;
	_ =	swait.ge [sflag:s9], $0x800  }
0x10: {  	s13 =	ssub.s32 s10, s13;
	[sflag:s9] =	ssyncset.done $0x0  }
0x11: {  	s31 =	smax.u32 s13, $0x1;
	[sflag:s9] =	ssyncadd.s32 $0xFFFFF800  }
0x12: {  	p0 =	sne.s32 s31, $0x1;
	_ =	swait.ge [sflag:s9], $0x800  }
.Ltmp0:
0x13: {  	s30 =	sshll.u32 s12, $0x1;
	[sflag:s9] =	ssyncset.done $0x0;
	(pc) =	sbr.rel @!p0 .LBB2_2-.Ltmp0, $4  }
0x14: {  	s10 =	sadd.s32 s11, s30;
	[sflag:s9] =	ssyncadd.s32 $0xFFFFF800  }
0x15: {  	[hbm4b:s10+s2] =	stream.linear.scatter [tilespmem:s7], [sflag:$0x2], $0x1000, $0x38;
	[tilespmem:$0x1100] =	vst v63  }
0x16: {  	_ =	swait.ge [sflag:s3], $0x1000  }
0x17: {  	s11 =	sadd.s32 $0xFFFFFFFF, s31;
	[sflag:s3] =	ssyncset.done $0x0  }
.LBB2_1:
0x18: {  	p0 =	sne.s32 s11, $0x1;
	s11 =	sadd.s32 $0xFFFFFFFF, s11;
	[sflag:s3] =	ssyncadd.s32 $0xFFFFF000  }
0x19: {  	[tilespmem:s2], [sflag:$0x2] =	stream.linear.gather [hbm4b:s4+s2], $0x100, $0x38;
	[tilespmem:$0x1100] =	vst v63  }
0x1a: {  	_ =	swait.ge [sflag:s3], $0x100  }
0x1b: {  	[sflag:s3] =	ssyncset.done $0x0  }
0x1c: {  	[sflag:s3] =	ssyncadd.s32 $0xFFFFFF00  }
0x1d: {  	[tilespmem:s7], [sflag:$0x1] =	stream.indirect.gather [hbm4b:s5+s6], $0x10, s2, s6, $0xb8;
	[tilespmem:$0x1100] =	vst v63  }
0x1e: {  	_ = 	snop  }
0x1f: {  	[tilespmem:s8], [sflag:$0x1] =	stream.indirect.gather [hbm4b:s5+s6], $0x10, s6, s6, $0xb8;
	[tilespmem:$0x1100] =	vst v63  }
0x20: {  	_ =	swait.ge [sflag:s9], $0x800  }
0x21: {  	[sflag:s9] =	ssyncset.done $0x0  }
0x22: {  	[sflag:s9] =	ssyncadd.s32 $0xFFFFF800  }
0x23: {  	_ =	swait.ge [sflag:s9], $0x800  }
.Ltmp1:
0x24: {  	[sflag:s9] =	ssyncset.done $0x0;
	(pc) =	sbr.rel @p0 .LBB2_1-.Ltmp1, $4  }
0x25: {  	[sflag:s9] =	ssyncadd.s32 $0xFFFFF800  }
0x26: {  	[hbm4b:s10+s2] =	stream.linear.scatter [tilespmem:s7], [sflag:$0x2], $0x1000, $0x38;
	[tilespmem:$0x1100] =	vst v63  }
0x27: {  	_ =	swait.ge [sflag:s3], $0x1000  }
0x28: {  	[sflag:s3] =	ssyncset.done $0x0  }
.LBB2_2:
0x29: {  	[sflag:s3] =	ssyncadd.s32 $0xFFFFF000  }
0x2a: {  	_ =	sfence.sel $0x180000  }
0x2b: {  	[bflag:$0x0] =	sbarrier.arrive $0xFFFF  }
0x2c: {  	p0 =	sne.s32 s0, $0x0;
	_ =	strace $0x90000047  }
0x2d: {  	s0 =	sadd.s32 @!p0 $0x100000, s1;
	[bflag:$0x2] =	sbarrier.arrive $0xFFFF  }
0x2e: {  	[sflag:s0] =	ssyncadd.tile.s32 @!p0 $0x1;
	_ =	shalt  }
.Lfunc_end2:
_tile_overlayer_lowered:
.L_overlay_start_2:
0x2f: {  	(tag) =	ssettag $0x2  }
0x30: {  	s0 =	rddreg [dreg:$0x0];
	s2 =	stileid.u32  }
0x31: {  	s1 =	rddreg [dreg:$0x1];
	p0 =	sne.s32 s2, $0x0  }
0x32: {  	s3 =	rddreg [dreg:$0x2];
	[bflag:$0x3] =	sbarrier.arrive $0xFFFF;
	s2 =	simm.s32 @!p0 $0x1C02  }
0x33: {  	[timem:s3], [sflag:s2] =	dma.local @!p0 [hbm:s0], s1  }
0x34: {  	s0 =	simm.s32 @!p0 $0x2  }
0x35: {  	_ =	swait.ge @!p0 [sflag:s0], s1  }
0x36: {  	s1 =	ssub.s32 @!p0 $0x0, s1;
	[sflag:s0] =	ssyncset.done @!p0 $0x0  }
0x37: {  	[sflag:s0] =	ssyncadd.s32 @!p0 s1  }
0x38: {  	[bflag:$0x3] =	sbarrier.arrive $0xFFFF  }
0x39: {  	_ =	shalt  }

</sc_bundles>
